<compile_context>
chip_gen: v7x
topology: tpu7x:2x2x1
jax: 0.10.2.dev20260603
libtpu: 0.0.44.dev20260713+nightly
codegen_flags: <defaults>
</compile_context>

<pallas_src>
import functools

import jax
import jax.numpy as jnp
from jax import lax
from jax.experimental import pallas as pl
from jax.experimental.pallas import tpu as pltpu
from jax.experimental.pallas import tpu_sc as plsc

_B = 16384
_DU = 64
_NI = 8
_DI = 8
_WIN = 16


def _sc_gather(table, idx, n_workers):
    b_per_w = _B // n_workers
    mesh = plsc.VectorSubcoreMesh(core_axis_name="c", subcore_axis_name="s")

    @functools.partial(
        pl.kernel,
        mesh=mesh,
        out_type=jax.ShapeDtypeStruct((_B, _DU), jnp.float32),
        scratch_types=[
            pltpu.VMEM((b_per_w,), jnp.int32),
            pltpu.VMEM((b_per_w, _DU), jnp.float32),
            pltpu.SemaphoreType.DMA,
        ],
    )
    def gather_kernel(table3_hbm, idx_hbm, out_hbm, idx_v, rows_v, sem):
        table_hbm = table3_hbm.at[0]
        wid = lax.axis_index("s") * 2 + lax.axis_index("c")
        base = wid * b_per_w
        pltpu.sync_copy(idx_hbm.at[pl.ds(base, b_per_w)], idx_v)

        n_grp = b_per_w // 16

        def issue(g, _):
            v = idx_v[pl.ds(g * 16, 16)]
            for k in range(16):
                pltpu.make_async_copy(
                    table_hbm.at[pl.ds(v[k], 1)],
                    rows_v.at[pl.ds(g * 16 + k, 1)],
                    sem,
                ).start()

            @pl.when(g >= 2)
            def _drain():
                for k in range(16):
                    pltpu.make_async_copy(
                        table_hbm.at[pl.ds(0, 1)],
                        rows_v.at[pl.ds((g - 2) * 16 + k, 1)],
                        sem,
                    ).wait()

            return 0

        lax.fori_loop(0, n_grp, issue, 0)
        for k in range(32):
            pltpu.make_async_copy(
                table_hbm.at[pl.ds(0, 1)],
                rows_v.at[pl.ds((n_grp - 2) * 16 + k, 1)],
                sem,
            ).wait()
        pltpu.sync_copy(rows_v, out_hbm.at[pl.ds(base, b_per_w)])

    return gather_kernel(table, idx)


def _tc_mlp(u, w1, b1, w2, b2, w3, b3, w4, b4, blk):
    nb = _B // blk
    nt = (((1,), (1,)), ((), ()))

    def body(u_ref, w1_ref, b1_ref, w2_ref, b2_ref, w3_ref, b3_ref,
             w4_ref, b4_ref, out_ref):
        x = u_ref[:]
        h = lax.dot_general(x, w1_ref[:, :_DU], nt,
                            preferred_element_type=jnp.float32)
        h = h + b1_ref[:]
        h = jnp.maximum(h, 0.0)
        h = lax.dot_general(h, w2_ref[:], nt,
                            preferred_element_type=jnp.float32) + b2_ref[:]
        h = jnp.maximum(h, 0.0)
        h = lax.dot_general(h, w3_ref[:], nt,
                            preferred_element_type=jnp.float32) + b3_ref[:]
        h = jnp.maximum(h, 0.0)
        out_ref[:] = (lax.dot_general(
            w4_ref[:], h, nt,
            preferred_element_type=jnp.float32) + b4_ref[:])

    full = lambda shape: pl.BlockSpec(shape, lambda i: (0,) * len(shape))
    return pl.pallas_call(
        body,
        grid=(nb,),
        in_specs=[
            pl.BlockSpec((blk, _DU), lambda i: (i, 0)),
            full((128, 72)),
            full((1, 128)),
            full((64, 128)),
            full((1, 64)),
            full((32, 64)),
            full((1, 32)),
            full((1, 32)),
            full((1, 1)),
        ],
        out_specs=pl.BlockSpec((1, blk), lambda i: (0, i)),
        out_shape=jax.ShapeDtypeStruct((1, _B), jnp.float32),
    )(u, w1, b1, w2, b2, w3, b3, w4, b4)


def kernel(users, items, user_table, item_table, W1, b1, W2, b2, W3, b3,
           W4, b4):
    users = users.astype(jnp.int32)
    items = items.astype(jnp.int32)

    info = plsc.get_sparse_core_info()
    n_workers = info.num_cores * info.num_subcores

    u = _sc_gather(user_table.reshape(1, -1, _DU), users, n_workers)

    out2d = _tc_mlp(
        u,
        W1, b1.reshape(1, -1),
        W2, b2.reshape(1, -1),
        W3, b3.reshape(1, -1),
        W4, b4.reshape(1, -1),
        blk=4096,
    )
    return out2d.reshape(_B)

# --- scband reference (transcript-rebuilt; emitter-appended) ---
"""Pipeline reference for scband-ncf-22960895164785 (READ-ONLY COPY).

The authoritative reference and input builder live on the scoring server;
editing this copy changes nothing except your own understanding.
"""

import jax, jax.numpy as jnp
import numpy as np

N_USERS = 1000000
D_USER = 64
N_ITEMS = 8
D_ITEM = 8
BATCH = 16384
MLP = (128, 64, 32)

def _xavier(k, fan_out, fan_in):
    lim = (6.0 / (fan_in + fan_out)) ** 0.5
    return jax.random.uniform(k, (fan_out, fan_in), minval=-lim, maxval=lim, dtype=jnp.float32)

def setup_inputs(seed: int = 0):
    key = jax.random.key(seed)
    ks = jax.random.split(key, 4)
    user_table = jax.random.normal(ks[0], (N_USERS, D_USER), dtype=jnp.float32) * 0.1
    item_table = jnp.zeros((N_ITEMS, D_ITEM), dtype=jnp.float32)
    users = jax.random.randint(ks[1], (BATCH,), 0, N_USERS)
    items = jax.random.randint(ks[2], (BATCH,), 0, N_ITEMS)
    dims = [D_USER + D_ITEM] + list(MLP) + [1]
    params = {}
    for i in range(4):
        params['W%d' % (i + 1)] = _xavier(jax.random.fold_in(key, 100 + i), dims[i + 1], dims[i])
        params['b%d' % (i + 1)] = jnp.zeros((dims[i + 1],), dtype=jnp.float32)
    out = dict(users=users, items=items, user_table=user_table, item_table=item_table)
    out.update(params)
    return out

def reference(users, items, user_table, item_table, W1, b1, W2, b2, W3, b3, W4, b4):
    # domain == 'source' path; dropout is identity in eval mode
    u = jnp.take(user_table, users, axis=0)
    i_feat = jnp.take(item_table, items, axis=0)
    x = jnp.concatenate([u, i_feat], axis=-1)
    h = jax.nn.relu(x @ W1.T + b1)
    h = jax.nn.relu(h @ W2.T + b2)
    h = jax.nn.relu(h @ W3.T + b3)
    out = (h @ W4.T + b4).squeeze(-1)
    return out

if __name__ == "__main__":
    import jax
    _d = setup_inputs()
    print(jax.jit(kernel)(*tuple(_d.values())))

</pallas_src>

<mosaic_0001>
#map = affine_map<(d0, d1) -> (0, 0, 0)>
#map1 = affine_map<(d0, d1) -> (0)>
#map2 = affine_map<(d0, d1) -> (0, 0)>
module attributes {stable_mosaic.version = 14 : i64} {
  func.func @gather_kernel(%arg0: i32, %arg1: i32, %arg2: memref<1x1000000x64xf32, #tpu.memory_space<hbm>>, %arg3: memref<16384xi32, #tpu.memory_space<hbm>>, %arg4: memref<16384x64xf32, #tpu.memory_space<hbm>>, %arg5: memref<512xi32, #tpu.memory_space<vmem>>, %arg6: memref<512x64xf32, #tpu.memory_space<vmem>>, %arg7: memref<!tpu.dma_semaphore, #tpu.memory_space<semaphore_mem>>) attributes {dimension_semantics = [#tpu.dimension_semantics<core_parallel>, #tpu.dimension_semantics<subcore_parallel>], iteration_bounds = array<i64: 2, 16>, scalar_prefetch = 0 : i64, scratch_operands = 3 : i64, tpu.core_type = #tpu.core_type<sc_vector_subcore>, window_params = [{transform_indices = #map}, {transform_indices = #map1}, {transform_indices = #map2}]} {
    %mul3A = arith.constant 2 : i32
    %mul3A_0 = arith.muli %arg1, %mul3A : i32
    %add3A = arith.addi %mul3A_0, %arg0 : i32
    %mul3A_1 = arith.constant 512 : i32
    %mul3A_2 = arith.muli %add3A, %mul3A_1 : i32
    "tpu.region"() ({
      %run_scoped3A = tpu.sem_alloc : memref<!tpu.dma_semaphore, #tpu.memory_space<semaphore_mem>>
      %dma_start3A = tpu.memref_slice %arg3[%mul3A_2] : memref<16384xi32, #tpu.memory_space<hbm>> -> memref<512xi32, #tpu.memory_space<hbm>>
      %dma_start3A_681 = tpu.memref_slice %arg3[%mul3A_2] : memref<16384xi32, #tpu.memory_space<hbm>> -> memref<512xi32, #tpu.memory_space<hbm>>
      tpu.enqueue_dma source(%dma_start3A_681 : memref<512xi32, #tpu.memory_space<hbm>>) target(%arg5 : memref<512xi32, #tpu.memory_space<vmem>>) target_semaphore(%run_scoped3A : memref<!tpu.dma_semaphore, #tpu.memory_space<semaphore_mem>>)
      %dma_wait3A_682 = tpu.memref_slice %arg3[%mul3A_2] : memref<16384xi32, #tpu.memory_space<hbm>> -> memref<512xi32, #tpu.memory_space<hbm>>
      %dma_wait3A_683 = tpu.memref_slice %arg3[%mul3A_2] : memref<16384xi32, #tpu.memory_space<hbm>> -> memref<512xi32, #tpu.memory_space<hbm>>
      tpu.wait_dma2 semaphore(%run_scoped3A : memref<!tpu.dma_semaphore, #tpu.memory_space<semaphore_mem>>) src(%dma_wait3A_683 : memref<512xi32, #tpu.memory_space<hbm>>) dst(%arg5 : memref<512xi32, #tpu.memory_space<vmem>>)
      tpu.yield
    }) : () -> ()
    %scan3A = arith.constant 0 : i32
    %scan3A_3 = arith.constant 0 : i32
    %scan3A_4 = arith.constant 0 : i32
    %scan3A_5 = arith.constant 32 : i32
    %scan3A_6 = arith.addi %scan3A_4, %scan3A_5 : i32
    %scan3A_7 = arith.constant 1 : i32
    %scan3A_8 = scf.for %scan3A_681 = %scan3A_4 to %scan3A_6 step %scan3A_7 iter_args(%scan3A_682 = %scan3A_3) -> (i32)  : i32 {
      %mul3A_683 = arith.constant 16 : i32
      %mul3A_684 = arith.muli %scan3A_681, %mul3A_683 : i32
      %get3A = arith.index_cast %mul3A_684 : i32 to index
      %get3A_685 = tpu.vector_load %arg5[%get3A] {strides = array<i32>} : memref<512xi32, #tpu.memory_space<vmem>>, vector<16xi32>,
      %get3A_686 = vector.shape_cast %get3A_685 : vector<16xi32> to vector<16xi32>
      %slice3A = vector.extract_strided_slice %get3A_686 {offsets = [0], sizes = [1], strides = [1]} : vector<16xi32> to vector<1xi32>
      %squeeze3A = vector.extract %slice3A[0] : i32 from vector<1xi32>
      %mul3A_687 = arith.constant 16 : i32
      %mul3A_688 = arith.muli %scan3A_681, %mul3A_687 : i32
      %add3A_689 = arith.constant 0 : i32
      %add3A_690 = arith.addi %mul3A_688, %add3A_689 : i32
      %dma_start3A = arith.constant 0 : i32
      %dma_start3A_691 = tpu.memref_slice %arg6[%add3A_690, %dma_start3A] : memref<512x64xf32, #tpu.memory_space<vmem>> -> memref<1x64xf32, #tpu.memory_space<vmem>>
      %dma_start3A_692 = arith.constant 0 : i32
      %dma_start3A_693 = arith.constant 0 : i32
      %dma_start3A_694 = tpu.memref_slice %arg2[%scan3A, %dma_start3A_692, %dma_start3A_693] : memref<1x1000000x64xf32, #tpu.memory_space<hbm>> -> memref<1x1000000x64xf32, #tpu.memory_space<hbm>>
      %dma_start3A_695 = tpu.memref_squeeze %dma_start3A_694 : memref<1x1000000x64xf32, #tpu.memory_space<hbm>> -> memref<1000000x64xf32, #tpu.memory_space<hbm>>
      %dma_start3A_696 = arith.constant 0 : i32
      %dma_start3A_697 = tpu.memref_slice %dma_start3A_695[%squeeze3A, %dma_start3A_696] : memref<1000000x64xf32, #tpu.memory_space<hbm>> -> memref<1x64xf32, #tpu.memory_space<hbm>>
      %dma_start3A_698 = arith.constant 0 : i32
      %dma_start3A_699 = tpu.memref_slice %arg6[%add3A_690, %dma_start3A_698] : memref<512x64xf32, #tpu.memory_space<vmem>> -> memref<1x64xf32, #tpu.memory_space<vmem>>
      %dma_start3A_700 = arith.constant 0 : i32
      %dma_start3A_701 = arith.constant 0 : i32
      %dma_start3A_702 = tpu.memref_slice %arg2[%scan3A, %dma_start3A_700, %dma_start3A_701] : memref<1x1000000x64xf32, #tpu.memory_space<hbm>> -> memref<1x1000000x64xf32, #tpu.memory_space<hbm>>
      %dma_start3A_703 = tpu.memref_squeeze %dma_start3A_702 : memref<1x1000000x64xf32, #tpu.memory_space<hbm>> -> memref<1000000x64xf32, #tpu.memory_space<hbm>>
      %dma_start3A_704 = arith.constant 0 : i32
      %dma_start3A_705 = tpu.memref_slice %dma_start3A_703[%squeeze3A, %dma_start3A_704] : memref<1000000x64xf32, #tpu.memory_space<hbm>> -> memref<1x64xf32, #tpu.memory_space<hbm>>
      tpu.enqueue_dma source(%dma_start3A_705 : memref<1x64xf32, #tpu.memory_space<hbm>>) target(%dma_start3A_699 : memref<1x64xf32, #tpu.memory_space<vmem>>) target_semaphore(%arg7 : memref<!tpu.dma_semaphore, #tpu.memory_space<semaphore_mem>>)
      %slice3A_706 = vector.extract_strided_slice %get3A_686 {offsets = [1], sizes = [1], strides = [1]} : vector<16xi32> to vector<1xi32>
      %squeeze3A_707 = vector.extract %slice3A_706[0] : i32 from vector<1xi32>
      %mul3A_708 = arith.constant 16 : i32
      %mul3A_709 = arith.muli %scan3A_681, %mul3A_708 : i32
      %add3A_710 = arith.constant 1 : i32
      %add3A_711 = arith.addi %mul3A_709, %add3A_710 : i32
      %dma_start3A_712 = arith.constant 0 : i32
      %dma_start3A_713 = tpu.memref_slice %arg6[%add3A_711, %dma_start3A_712] : memref<512x64xf32, #tpu.memory_space<vmem>> -> memref<1x64xf32, #tpu.memory_space<vmem>>
      %dma_start3A_714 = arith.constant 0 : i32
      %dma_start3A_715 = arith.constant 0 : i32
      %dma_start3A_716 = tpu.memref_slice %arg2[%scan3A, %dma_start3A_714, %dma_start3A_715] : memref<1x1000000x64xf32, #tpu.memory_space<hbm>> -> memref<1x1000000x64xf32, #tpu.memory_space<hbm>>
      %dma_start3A_717 = tpu.memref_squeeze %dma_start3A_716 : memref<1x1000000x64xf32, #tpu.memory_space<hbm>> -> memref<1000000x64xf32, #tpu.memory_space<hbm>>
      %dma_start3A_718 = arith.constant 0 : i32
      %dma_start3A_719 = tpu.memref_slice %dma_start3A_717[%squeeze3A_707, %dma_start3A_718] : memref<1000000x64xf32, #tpu.memory_space<hbm>> -> memref<1x64xf32, #tpu.memory_space<hbm>>
      %dma_start3A_720 = arith.constant 0 : i32
      %dma_start3A_721 = tpu.memref_slice %arg6[%add3A_711, %dma_start3A_720] : memref<512x64xf32, #tpu.memory_space<vmem>> -> memref<1x64xf32, #tpu.memory_space<vmem>>
      %dma_start3A_722 = arith.constant 0 : i32
      %dma_start3A_723 = arith.constant 0 : i32
      %dma_start3A_724 = tpu.memref_slice %arg2[%scan3A, %dma_start3A_722, %dma_start3A_723] : memref<1x1000000x64xf32, #tpu.memory_space<hbm>> -> memref<1x1000000x64xf32, #tpu.memory_space<hbm>>
      %dma_start3A_725 = tpu.memref_squeeze %dma_start3A_724 : memref<1x1000000x64xf32, #tpu.memory_space<hbm>> -> memref<1000000x64xf32, #tpu.memory_space<hbm>>
      %dma_start3A_726 = arith.constant 0 : i32
      %dma_start3A_727 = tpu.memref_slice %dma_start3A_725[%squeeze3A_707, %dma_start3A_726] : memref<1000000x64xf32, #tpu.memory_space<hbm>> -> memref<1x64xf32, #tpu.memory_space<hbm>>
      tpu.enqueue_dma source(%dma_start3A_727 : memref<1x64xf32, #tpu.memory_space<hbm>>) target(%dma_start3A_721 : memref<1x64xf32, #tpu.memory_space<vmem>>) target_semaphore(%arg7 : memref<!tpu.dma_semaphore, #tpu.memory_space<semaphore_mem>>)
      %slice3A_728 = vector.extract_strided_slice %get3A_686 {offsets = [2], sizes = [1], strides = [1]} : vector<16xi32> to vector<1xi32>
      %squeeze3A_729 = vector.extract %slice3A_728[0] : i32 from vector<1xi32>
      %mul3A_730 = arith.constant 16 : i32
      %mul3A_731 = arith.muli %scan3A_681, %mul3A_730 : i32
      %add3A_732 = arith.constant 2 : i32
      %add3A_733 = arith.addi %mul3A_731, %add3A_732 : i32
      %dma_start3A_734 = arith.constant 0 : i32
      %dma_start3A_735 = tpu.memref_slice %arg6[%add3A_733, %dma_start3A_734] : memref<512x64xf32, #tpu.memory_space<vmem>> -> memref<1x64xf32, #tpu.memory_space<vmem>>
      %dma_start3A_736 = arith.constant 0 : i32
      %dma_start3A_737 = arith.constant 0 : i32
      %dma_start3A_738 = tpu.memref_slice %arg2[%scan3A, %dma_start3A_736, %dma_start3A_737] : memref<1x1000000x64xf32, #tpu.memory_space<hbm>> -> memref<1x1000000x64xf32, #tpu.memory_space<hbm>>
      %dma_start3A_739 = tpu.memref_squeeze %dma_start3A_738 : memref<1x1000000x64xf32, #tpu.memory_space<hbm>> -> memref<1000000x64xf32, #tpu.memory_space<hbm>>
      %dma_start3A_740 = arith.constant 0 : i32
      %dma_start3A_741 = tpu.memref_slice %dma_start3A_739[%squeeze3A_729, %dma_start3A_740] : memref<1000000x64xf32, #tpu.memory_space<hbm>> -> memref<1x64xf32, #tpu.memory_space<hbm>>
      %dma_start3A_742 = arith.constant 0 : i32
      %dma_start3A_743 = tpu.memref_slice %arg6[%add3A_733, %dma_start3A_742] : memref<512x64xf32, #tpu.memory_space<vmem>> -> memref<1x64xf32, #tpu.memory_space<vmem>>
      %dma_start3A_744 = arith.constant 0 : i32
      %dma_start3A_745 = arith.constant 0 : i32
      %dma_start3A_746 = tpu.memref_slice %arg2[%scan3A, %dma_start3A_744, %dma_start3A_745] : memref<1x1000000x64xf32, #tpu.memory_space<hbm>> -> memref<1x1000000x64xf32, #tpu.memory_space<hbm>>
      %dma_start3A_747 = tpu.memref_squeeze %dma_start3A_746 : memref<1x1000000x64xf32, #tpu.memory_space<hbm>> -> memref<1000000x64xf32, #tpu.memory_space<hbm>>
      %dma_start3A_748 = arith.constant 0 : i32
      %dma_start3A_749 = tpu.memref_slice %dma_start3A_747[%squeeze3A_729, %dma_start3A_748] : memref<1000000x64xf32, #tpu.memory_space<hbm>> -> memref<1x64xf32, #tpu.memory_space<hbm>>
      tpu.enqueue_dma source(%dma_start3A_749 : memref<1x64xf32, #tpu.memory_space<hbm>>) target(%dma_start3A_743 : memref<1x64xf32, #tpu.memory_space<vmem>>) target_semaphore(%arg7 : memref<!tpu.dma_semaphore, #tpu.memory_space<semaphore_mem>>)
      %slice3A_750 = vector.extract_strided_slice %get3A_686 {offsets = [3], sizes = [1], strides = [1]} : vector<16xi32> to vector<1xi32>
      %squeeze3A_751 = vector.extract %slice3A_750[0] : i32 from vector<1xi32>
      %mul3A_752 = arith.constant 16 : i32
      %mul3A_753 = arith.muli %scan3A_681, %mul3A_752 : i32
      %add3A_754 = arith.constant 3 : i32
      %add3A_755 = arith.addi %mul3A_753, %add3A_754 : i32
      %dma_start3A_756 = arith.constant 0 : i32
      %dma_start3A_757 = tpu.memref_slice %arg6[%add3A_755, %dma_start3A_756] : memref<512x64xf32, #tpu.memory_space<vmem>> -> memref<1x64xf32, #tpu.memory_space<vmem>>
      %dma_start3A_758 = arith.constant 0 : i32
      %dma_start3A_759 = arith.constant 0 : i32
      %dma_start3A_760 = tpu.memref_slice %arg2[%scan3A, %dma_start3A_758, %dma_start3A_759] : memref<1x1000000x64xf32, #tpu.memory_space<hbm>> -> memref<1x1000000x64xf32, #tpu.memory_space<hbm>>
      %dma_start3A_761 = tpu.memref_squeeze %dma_start3A_760 : memref<1x1000000x64xf32, #tpu.memory_space<hbm>> -> memref<1000000x64xf32, #tpu.memory_space<hbm>>
      %dma_start3A_762 = arith.constant 0 : i32
      %dma_start3A_763 = tpu.memref_slice %dma_start3A_761[%squeeze3A_751, %dma_start3A_762] : memref<1000000x64xf32, #tpu.memory_space<hbm>> -> memref<1x64xf32, #tpu.memory_space<hbm>>
      %dma_start3A_764 = arith.constant 0 : i32
      %dma_start3A_765 = tpu.memref_slice %arg6[%add3A_755, %dma_start3A_764] : memref<512x64xf32, #tpu.memory_space<vmem>> -> memref<1x64xf32, #tpu.memory_space<vmem>>
      %dma_start3A_766 = arith.constant 0 : i32
      %dma_start3A_767 = arith.constant 0 : i32
      %dma_start3A_768 = tpu.memref_slice %arg2[%scan3A, %dma_start3A_766, %dma_start3A_767] : memref<1x1000000x64xf32, #tpu.memory_space<hbm>> -> memref<1x1000000x64xf32, #tpu.memory_space<hbm>>
      %dma_start3A_769 = tpu.memref_squeeze %dma_start3A_768 : memref<1x1000000x64xf32, #tpu.memory_space<hbm>> -> memref<1000000x64xf32, #tpu.memory_space<hbm>>
      %dma_start3A_770 = arith.constant 0 : i32
      %dma_start3A_771 = tpu.memref_slice %dma_start3A_769[%squeeze3A_751, %dma_start3A_770] : memref<1000000x64xf32, #tpu.memory_space<hbm>> -> memref<1x64xf32, #tpu.memory_space<hbm>>
      tpu.enqueue_dma source(%dma_start3A_771 : memref<1x64xf32, #tpu.memory_space<hbm>>) target(%dma_start3A_765 : memref<1x64xf32, #tpu.memory_space<vmem>>) target_semaphore(%arg7 : memref<!tpu.dma_semaphore, #tpu.memory_space<semaphore_mem>>)
      %slice3A_772 = vector.extract_strided_slice %get3A_686 {offsets = [4], sizes = [1], strides = [1]} : vector<16xi32> to vector<1xi32>
      %squeeze3A_773 = vector.extract %slice3A_772[0] : i32 from vector<1xi32>
      %mul3A_774 = arith.constant 16 : i32
      %mul3A_775 = arith.muli %scan3A_681, %mul3A_774 : i32
      %add3A_776 = arith.constant 4 : i32
      %add3A_777 = arith.addi %mul3A_775, %add3A_776 : i32
      %dma_start3A_778 = arith.constant 0 : i32
      %dma_start3A_779 = tpu.memref_slice %arg6[%add3A_777, %dma_start3A_778] : memref<512x64xf32, #tpu.memory_space<vmem>> -> memref<1x64xf32, #tpu.memory_space<vmem>>
      %dma_start3A_780 = arith.constant 0 : i32
      %dma_start3A_781 = arith.constant 0 : i32
      %dma_start3A_782 = tpu.memref_slice %arg2[%scan3A, %dma_start3A_780, %dma_start3A_781] : memref<1x1000000x64xf32, #tpu.memory_space<hbm>> -> memref<1x1000000x64xf32, #tpu.memory_space<hbm>>
      %dma_start3A_783 = tpu.memref_squeeze %dma_start3A_782 : memref<1x1000000x64xf32, #tpu.memory_space<hbm>> -> memref<1000000x64xf32, #tpu.memory_space<hbm>>
      %dma_start3A_784 = arith.constant 0 : i32
      %dma_start3A_785 = tpu.memref_slice %dma_start3A_783[%squeeze3A_773, %dma_start3A_784] : memref<1000000x64xf32, #tpu.memory_space<hbm>> -> memref<1x64xf32, #tpu.memory_space<hbm>>
      %dma_start3A_786 = arith.constant 0 : i32
      %dma_start3A_787 = tpu.memref_slice %arg6[%add3A_777, %dma_start3A_786] : memref<512x64xf32, #tpu.memory_space<vmem>> -> memref<1x64xf32, #tpu.memory_space<vmem>>
      %dma_start3A_788 = arith.constant 0 : i32
      %dma_start3A_789 = arith.constant 0 : i32
      %dma_start3A_790 = tpu.memref_slice %arg2[%scan3A, %dma_start3A_788, %dma_start3A_789] : memref<1x1000000x64xf32, #tpu.memory_space<hbm>> -> memref<1x1000000x64xf32, #tpu.memory_space<hbm>>
      %dma_start3A_791 = tpu.memref_squeeze %dma_start3A_790 : memref<1x1000000x64xf32, #tpu.memory_space<hbm>> -> memref<1000000x64xf32, #tpu.memory_space<hbm>>
      %dma_start3A_792 = arith.constant 0 : i32
      %dma_start3A_793 = tpu.memref_slice %dma_start3A_791[%squeeze3A_773, %dma_start3A_792] : memref<1000000x64xf32, #tpu.memory_space<hbm>> -> memref<1x64xf32, #tpu.memory_space<hbm>>
      tpu.enqueue_dma source(%dma_start3A_793 : memref<1x64xf32, #tpu.memory_space<hbm>>) target(%dma_start3A_787 : memref<1x64xf32, #tpu.memory_space<vmem>>) target_semaphore(%arg7 : memref<!tpu.dma_semaphore, #tpu.memory_space<semaphore_mem>>)
      %slice3A_794 = vector.extract_strided_slice %get3A_686 {offsets = [5], sizes = [1], strides = [1]} : vector<16xi32> to vector<1xi32>
      %squeeze3A_795 = vector.extract %slice3A_794[0] : i32 from vector<1xi32>
      %mul3A_796 = arith.constant 16 : i32
      %mul3A_797 = arith.muli %scan3A_681, %mul3A_796 : i32
      %add3A_798 = arith.constant 5 : i32
      %add3A_799 = arith.addi %mul3A_797, %add3A_798 : i32
      %dma_start3A_800 = arith.constant 0 : i32
      %dma_start3A_801 = tpu.memref_slice %arg6[%add3A_799, %dma_start3A_800] : memref<512x64xf32, #tpu.memory_space<vmem>> -> memref<1x64xf32, #tpu.memory_space<vmem>>
      %dma_start3A_802 = arith.constant 0 : i32
      %dma_start3A_803 = arith.constant 0 : i32
      %dma_start3A_804 = tpu.memref_slice %arg2[%scan3A, %dma_start3A_802, %dma_start3A_803] : memref<1x1000000x64xf32, #tpu.memory_space<hbm>> -> memref<1x1000000x64xf32, #tpu.memory_space<hbm>>
      %dma_start3A_805 = tpu.memref_squeeze %dma_start3A_804 : memref<1x1000000x64xf32, #tpu.memory_space<hbm>> -> memref<1000000x64xf32, #tpu.memory_space<hbm>>
      %dma_start3A_806 = arith.constant 0 : i32
      %dma_start3A_807 = tpu.memref_slice %dma_start3A_805[%squeeze3A_795, %dma_start3A_806] : memref<1000000x64xf32, #tpu.memory_space<hbm>> -> memref<1x64xf32, #tpu.memory_space<hbm>>
      %dma_start3A_808 = arith.constant 0 : i32
      %dma_start3A_809 = tpu.memref_slice %arg6[%add3A_799, %dma_start3A_808] : memref<512x64xf32, #tpu.memory_space<vmem>> -> memref<1x64xf32, #tpu.memory_space<vmem>>
      %dma_start3A_810 = arith.constant 0 : i32
      %dma_start3A_811 = arith.constant 0 : i32
      %dma_start3A_812 = tpu.memref_slice %arg2[%scan3A, %dma_start3A_810, %dma_start3A_811] : memref<1x1000000x64xf32, #tpu.memory_space<hbm>> -> memref<1x1000000x64xf32, #tpu.memory_space<hbm>>
      %dma_start3A_813 = tpu.memref_squeeze %dma_start3A_812 : memref<1x1000000x64xf32, #tpu.memory_space<hbm>> -> memref<1000000x64xf32, #tpu.memory_space<hbm>>
      %dma_start3A_814 = arith.constant 0 : i32
      %dma_start3A_815 = tpu.memref_slice %dma_start3A_813[%squeeze3A_795, %dma_start3A_814] : memref<1000000x64xf32, #tpu.memory_space<hbm>> -> memref<1x64xf32, #tpu.memory_space<hbm>>
      tpu.enqueue_dma source(%dma_start3A_815 : memref<1x64xf32, #tpu.memory_space<hbm>>) target(%dma_start3A_809 : memref<1x64xf32, #tpu.memory_space<vmem>>) target_semaphore(%arg7 : memref<!tpu.dma_semaphore, #tpu.memory_space<semaphore_mem>>)
      %slice3A_816 = vector.extract_strided_slice %get3A_686 {offsets = [6], sizes = [1], strides = [1]} : vector<16xi32> to vector<1xi32>
      %squeeze3A_817 = vector.extract %slice3A_816[0] : i32 from vector<1xi32>
      %mul3A_818 = arith.constant 16 : i32
      %mul3A_819 = arith.muli %scan3A_681, %mul3A_818 : i32
      %add3A_820 = arith.constant 6 : i32
      %add3A_821 = arith.addi %mul3A_819, %add3A_820 : i32
      %dma_start3A_822 = arith.constant 0 : i32
      %dma_start3A_823 = tpu.memref_slice %arg6[%add3A_821, %dma_start3A_822] : memref<512x64xf32, #tpu.memory_space<vmem>> -> memref<1x64xf32, #tpu.memory_space<vmem>>
      %dma_start3A_824 = arith.constant 0 : i32
      %dma_start3A_825 = arith.constant 0 : i32
      %dma_start3A_826 = tpu.memref_slice %arg2[%scan3A, %dma_start3A_824, %dma_start3A_825] : memref<1x1000000x64xf32, #tpu.memory_space<hbm>> -> memref<1x1000000x64xf32, #tpu.memory_space<hbm>>
      %dma_start3A_827 = tpu.memref_squeeze %dma_start3A_826 : memref<1x1000000x64xf32, #tpu.memory_space<hbm>> -> memref<1000000x64xf32, #tpu.memory_space<hbm>>
      %dma_start3A_828 = arith.constant 0 : i32
      %dma_start3A_829 = tpu.memref_slice %dma_start3A_827[%squeeze3A_817, %dma_start3A_828] : memref<1000000x64xf32, #tpu.memory_space<hbm>> -> memref<1x64xf32, #tpu.memory_space<hbm>>
      %dma_start3A_830 = arith.constant 0 : i32
      %dma_start3A_831 = tpu.memref_slice %arg6[%add3A_821, %dma_start3A_830] : memref<512x64xf32, #tpu.memory_space<vmem>> -> memref<1x64xf32, #tpu.memory_space<vmem>>
      %dma_start3A_832 = arith.constant 0 : i32
      %dma_start3A_833 = arith.constant 0 : i32
      %dma_start3A_834 = tpu.memref_slice %arg2[%scan3A, %dma_start3A_832, %dma_start3A_833] : memref<1x1000000x64xf32, #tpu.memory_space<hbm>> -> memref<1x1000000x64xf32, #tpu.memory_space<hbm>>
      %dma_start3A_835 = tpu.memref_squeeze %dma_start3A_834 : memref<1x1000000x64xf32, #tpu.memory_space<hbm>> -> memref<1000000x64xf32, #tpu.memory_space<hbm>>
      %dma_start3A_836 = arith.constant 0 : i32
      %dma_start3A_837 = tpu.memref_slice %dma_start3A_835[%squeeze3A_817, %dma_start3A_836] : memref<1000000x64xf32, #tpu.memory_space<hbm>> -> memref<1x64xf32, #tpu.memory_space<hbm>>
      tpu.enqueue_dma source(%dma_start3A_837 : memref<1x64xf32, #tpu.memory_space<hbm>>) target(%dma_start3A_831 : memref<1x64xf32, #tpu.memory_space<vmem>>) target_semaphore(%arg7 : memref<!tpu.dma_semaphore, #tpu.memory_space<semaphore_mem>>)
      %slice3A_838 = vector.extract_strided_slice %get3A_686 {offsets = [7], sizes = [1], strides = [1]} : vector<16xi32> to vector<1xi32>
      %squeeze3A_839 = vector.extract %slice3A_838[0] : i32 from vector<1xi32>
      %mul3A_840 = arith.constant 16 : i32
      %mul3A_841 = arith.muli %scan3A_681, %mul3A_840 : i32
      %add3A_842 = arith.constant 7 : i32
      %add3A_843 = arith.addi %mul3A_841, %add3A_842 : i32
      %dma_start3A_844 = arith.constant 0 : i32
      %dma_start3A_845 = tpu.memref_slice %arg6[%add3A_843, %dma_start3A_844] : memref<512x64xf32, #tpu.memory_space<vmem>> -> memref<1x64xf32, #tpu.memory_space<vmem>>
      %dma_start3A_846 = arith.constant 0 : i32
      %dma_start3A_847 = arith.constant 0 : i32
      %dma_start3A_848 = tpu.memref_slice %arg2[%scan3A, %dma_start3A_846, %dma_start3A_847] : memref<1x1000000x64xf32, #tpu.memory_space<hbm>> -> memref<1x1000000x64xf32, #tpu.memory_space<hbm>>
      %dma_start3A_849 = tpu.memref_squeeze %dma_start3A_848 : memref<1x1000000x64xf32, #tpu.memory_space<hbm>> -> memref<1000000x64xf32, #tpu.memory_space<hbm>>
      %dma_start3A_850 = arith.constant 0 : i32
      %dma_start3A_851 = tpu.memref_slice %dma_start3A_849[%squeeze3A_839, %dma_start3A_850] : memref<1000000x64xf32, #tpu.memory_space<hbm>> -> memref<1x64xf32, #tpu.memory_space<hbm>>
      %dma_start3A_852 = arith.constant 0 : i32
      %dma_start3A_853 = tpu.memref_slice %arg6[%add3A_843, %dma_start3A_852] : memref<512x64xf32, #tpu.memory_space<vmem>> -> memref<1x64xf32, #tpu.memory_space<vmem>>
      %dma_start3A_854 = arith.constant 0 : i32
      %dma_start3A_855 = arith.constant 0 : i32
      %dma_start3A_856 = tpu.memref_slice %arg2[%scan3A, %dma_start3A_854, %dma_start3A_855] : memref<1x1000000x64xf32, #tpu.memory_space<hbm>> -> memref<1x1000000x64xf32, #tpu.memory_space<hbm>>
      %dma_start3A_857 = tpu.memref_squeeze %dma_start3A_856 : memref<1x1000000x64xf32, #tpu.memory_space<hbm>> -> memref<1000000x64xf32, #tpu.memory_space<hbm>>
      %dma_start3A_858 = arith.constant 0 : i32
      %dma_start3A_859 = tpu.memref_slice %dma_start3A_857[%squeeze3A_839, %dma_start3A_858] : memref<1000000x64xf32, #tpu.memory_space<hbm>> -> memref<1x64xf32, #tpu.memory_space<hbm>>
      tpu.enqueue_dma source(%dma_start3A_859 : memref<1x64xf32, #tpu.memory_space<hbm>>) target(%dma_start3A_853 : memref<1x64xf32, #tpu.memory_space<vmem>>) target_semaphore(%arg7 : memref<!tpu.dma_semaphore, #tpu.memory_space<semaphore_mem>>)
      %slice3A_860 = vector.extract_strided_slice %get3A_686 {offsets = [8], sizes = [1], strides = [1]} : vector<16xi32> to vector<1xi32>
      %squeeze3A_861 = vector.extract %slice3A_860[0] : i32 from vector<1xi32>
      %mul3A_862 = arith.constant 16 : i32
      %mul3A_863 = arith.muli %scan3A_681, %mul3A_862 : i32
      %add3A_864 = arith.constant 8 : i32
      %add3A_865 = arith.addi %mul3A_863, %add3A_864 : i32
      %dma_start3A_866 = arith.constant 0 : i32
      %dma_start3A_867 = tpu.memref_slice %arg6[%add3A_865, %dma_start3A_866] : memref<512x64xf32, #tpu.memory_space<vmem>> -> memref<1x64xf32, #tpu.memory_space<vmem>>
      %dma_start3A_868 = arith.constant 0 : i32
      %dma_start3A_869 = arith.constant 0 : i32
      %dma_start3A_870 = tpu.memref_slice %arg2[%scan3A, %dma_start3A_868, %dma_start3A_869] : memref<1x1000000x64xf32, #tpu.memory_space<hbm>> -> memref<1x1000000x64xf32, #tpu.memory_space<hbm>>
      %dma_start3A_871 = tpu.memref_squeeze %dma_start3A_870 : memref<1x1000000x64xf32, #tpu.memory_space<hbm>> -> memref<1000000x64xf32, #tpu.memory_space<hbm>>
      %dma_start3A_872 = arith.constant 0 : i32
      %dma_start3A_873 = tpu.memref_slice %dma_start3A_871[%squeeze3A_861, %dma_start3A_872] : memref<1000000x64xf32, #tpu.memory_space<hbm>> -> memref<1x64xf32, #tpu.memory_space<hbm>>
      %dma_start3A_874 = arith.constant 0 : i32
      %dma_start3A_875 = tpu.memref_slice %arg6[%add3A_865, %dma_start3A_874] : memref<512x64xf32, #tpu.memory_space<vmem>> -> memref<1x64xf32, #tpu.memory_space<vmem>>
      %dma_start3A_876 = arith.constant 0 : i32
      %dma_start3A_877 = arith.constant 0 : i32
      %dma_start3A_878 = tpu.memref_slice %arg2[%scan3A, %dma_start3A_876, %dma_start3A_877] : memref<1x1000000x64xf32, #tpu.memory_space<hbm>> -> memref<1x1000000x64xf32, #tpu.memory_space<hbm>>
      %dma_start3A_879 = tpu.memref_squeeze %dma_start3A_878 : memref<1x1000000x64xf32, #tpu.memory_space<hbm>> -> memref<1000000x64xf32, #tpu.memory_space<hbm>>
      %dma_start3A_880 = arith.constant 0 : i32
      %dma_start3A_881 = tpu.memref_slice %dma_start3A_879[%squeeze3A_861, %dma_start3A_880] : memref<1000000x64xf32, #tpu.memory_space<hbm>> -> memref<1x64xf32, #tpu.memory_space<hbm>>
      tpu.enqueue_dma source(%dma_start3A_881 : memref<1x64xf32, #tpu.memory_space<hbm>>) target(%dma_start3A_875 : memref<1x64xf32, #tpu.memory_space<vmem>>) target_semaphore(%arg7 : memref<!tpu.dma_semaphore, #tpu.memory_space<semaphore_mem>>)
      %slice3A_882 = vector.extract_strided_slice %get3A_686 {offsets = [9], sizes = [1], strides = [1]} : vector<16xi32> to vector<1xi32>
      %squeeze3A_883 = vector.extract %slice3A_882[0] : i32 from vector<1xi32>
      %mul3A_884 = arith.constant 16 : i32
      %mul3A_885 = arith.muli %scan3A_681, %mul3A_884 : i32
      %add3A_886 = arith.constant 9 : i32
      %add3A_887 = arith.addi %mul3A_885, %add3A_886 : i32
      %dma_start3A_888 = arith.constant 0 : i32
      %dma_start3A_889 = tpu.memref_slice %arg6[%add3A_887, %dma_start3A_888] : memref<512x64xf32, #tpu.memory_space<vmem>> -> memref<1x64xf32, #tpu.memory_space<vmem>>
      %dma_start3A_890 = arith.constant 0 : i32
      %dma_start3A_891 = arith.constant 0 : i32
      %dma_start3A_892 = tpu.memref_slice %arg2[%scan3A, %dma_start3A_890, %dma_start3A_891] : memref<1x1000000x64xf32, #tpu.memory_space<hbm>> -> memref<1x1000000x64xf32, #tpu.memory_space<hbm>>
      %dma_start3A_893 = tpu.memref_squeeze %dma_start3A_892 : memref<1x1000000x64xf32, #tpu.memory_space<hbm>> -> memref<1000000x64xf32, #tpu.memory_space<hbm>>
      %dma_start3A_894 = arith.constant 0 : i32
      %dma_start3A_895 = tpu.memref_slice %dma_start3A_893[%squeeze3A_883, %dma_start3A_894] : memref<1000000x64xf32, #tpu.memory_space<hbm>> -> memref<1x64xf32, #tpu.memory_space<hbm>>
      %dma_start3A_896 = arith.constant 0 : i32
      %dma_start3A_897 = tpu.memref_slice %arg6[%add3A_887, %dma_start3A_896] : memref<512x64xf32, #tpu.memory_space<vmem>> -> memref<1x64xf32, #tpu.memory_space<vmem>>
      %dma_start3A_898 = arith.constant 0 : i32
      %dma_start3A_899 = arith.constant 0 : i32
      %dma_start3A_900 = tpu.memref_slice %arg2[%scan3A, %dma_start3A_898, %dma_start3A_899] : memref<1x1000000x64xf32, #tpu.memory_space<hbm>> -> memref<1x1000000x64xf32, #tpu.memory_space<hbm>>
      %dma_start3A_901 = tpu.memref_squeeze %dma_start3A_900 : memref<1x1000000x64xf32, #tpu.memory_space<hbm>> -> memref<1000000x64xf32, #tpu.memory_space<hbm>>
      %dma_start3A_902 = arith.constant 0 : i32
      %dma_start3A_903 = tpu.memref_slice %dma_start3A_901[%squeeze3A_883, %dma_start3A_902] : memref<1000000x64xf32, #tpu.memory_space<hbm>> -> memref<1x64xf32, #tpu.memory_space<hbm>>
      tpu.enqueue_dma source(%dma_start3A_903 : memref<1x64xf32, #tpu.memory_space<hbm>>) target(%dma_start3A_897 : memref<1x64xf32, #tpu.memory_space<vmem>>) target_semaphore(%arg7 : memref<!tpu.dma_semaphore, #tpu.memory_space<semaphore_mem>>)
      %slice3A_904 = vector.extract_strided_slice %get3A_686 {offsets = [10], sizes = [1], strides = [1]} : vector<16xi32> to vector<1xi32>
      %squeeze3A_905 = vector.extract %slice3A_904[0] : i32 from vector<1xi32>
      %mul3A_906 = arith.constant 16 : i32
      %mul3A_907 = arith.muli %scan3A_681, %mul3A_906 : i32
      %add3A_908 = arith.constant 10 : i32
      %add3A_909 = arith.addi %mul3A_907, %add3A_908 : i32
      %dma_start3A_910 = arith.constant 0 : i32
      %dma_start3A_911 = tpu.memref_slice %arg6[%add3A_909, %dma_start3A_910] : memref<512x64xf32, #tpu.memory_space<vmem>> -> memref<1x64xf32, #tpu.memory_space<vmem>>
      %dma_start3A_912 = arith.constant 0 : i32
      %dma_start3A_913 = arith.constant 0 : i32
      %dma_start3A_914 = tpu.memref_slice %arg2[%scan3A, %dma_start3A_912, %dma_start3A_913] : memref<1x1000000x64xf32, #tpu.memory_space<hbm>> -> memref<1x1000000x64xf32, #tpu.memory_space<hbm>>
      %dma_start3A_915 = tpu.memref_squeeze %dma_start3A_914 : memref<1x1000000x64xf32, #tpu.memory_space<hbm>> -> memref<1000000x64xf32, #tpu.memory_space<hbm>>
      %dma_start3A_916 = arith.constant 0 : i32
      %dma_start3A_917 = tpu.memref_slice %dma_start3A_915[%squeeze3A_905, %dma_start3A_916] : memref<1000000x64xf32, #tpu.memory_space<hbm>> -> memref<1x64xf32, #tpu.memory_space<hbm>>
      %dma_start3A_918 = arith.constant 0 : i32
      %dma_start3A_919 = tpu.memref_slice %arg6[%add3A_909, %dma_start3A_918] : memref<512x64xf32, #tpu.memory_space<vmem>> -> memref<1x64xf32, #tpu.memory_space<vmem>>
      %dma_start3A_920 = arith.constant 0 : i32
      %dma_start3A_921 = arith.constant 0 : i32
      %dma_start3A_922 = tpu.memref_slice %arg2[%scan3A, %dma_start3A_920, %dma_start3A_921] : memref<1x1000000x64xf32, #tpu.memory_space<hbm>> -> memref<1x1000000x64xf32, #tpu.memory_space<hbm>>
      %dma_start3A_923 = tpu.memref_squeeze %dma_start3A_922 : memref<1x1000000x64xf32, #tpu.memory_space<hbm>> -> memref<1000000x64xf32, #tpu.memory_space<hbm>>
      %dma_start3A_924 = arith.constant 0 : i32
      %dma_start3A_925 = tpu.memref_slice %dma_start3A_923[%squeeze3A_905, %dma_start3A_924] : memref<1000000x64xf32, #tpu.memory_space<hbm>> -> memref<1x64xf32, #tpu.memory_space<hbm>>
      tpu.enqueue_dma source(%dma_start3A_925 : memref<1x64xf32, #tpu.memory_space<hbm>>) target(%dma_start3A_919 : memref<1x64xf32, #tpu.memory_space<vmem>>) target_semaphore(%arg7 : memref<!tpu.dma_semaphore, #tpu.memory_space<semaphore_mem>>)
      %slice3A_926 = vector.extract_strided_slice %get3A_686 {offsets = [11], sizes = [1], strides = [1]} : vector<16xi32> to vector<1xi32>
      %squeeze3A_927 = vector.extract %slice3A_926[0] : i32 from vector<1xi32>
      %mul3A_928 = arith.constant 16 : i32
      %mul3A_929 = arith.muli %scan3A_681, %mul3A_928 : i32
      %add3A_930 = arith.constant 11 : i32
      %add3A_931 = arith.addi %mul3A_929, %add3A_930 : i32
      %dma_start3A_932 = arith.constant 0 : i32
      %dma_start3A_933 = tpu.memref_slice %arg6[%add3A_931, %dma_start3A_932] : memref<512x64xf32, #tpu.memory_space<vmem>> -> memref<1x64xf32, #tpu.memory_space<vmem>>
      %dma_start3A_934 = arith.constant 0 : i32
      %dma_start3A_935 = arith.constant 0 : i32
      %dma_start3A_936 = tpu.memref_slice %arg2[%scan3A, %dma_start3A_934, %dma_start3A_935] : memref<1x1000000x64xf32, #tpu.memory_space<hbm>> -> memref<1x1000000x64xf32, #tpu.memory_space<hbm>>
      %dma_start3A_937 = tpu.memref_squeeze %dma_start3A_936 : memref<1x1000000x64xf32, #tpu.memory_space<hbm>> -> memref<1000000x64xf32, #tpu.memory_space<hbm>>
      %dma_start3A_938 = arith.constant 0 : i32
      %dma_start3A_939 = tpu.memref_slice %dma_start3A_937[%squeeze3A_927, %dma_start3A_938] : memref<1000000x64xf32, #tpu.memory_space<hbm>> -> memref<1x64xf32, #tpu.memory_space<hbm>>
      %dma_start3A_940 = arith.constant 0 : i32
      %dma_start3A_941 = tpu.memref_slice %arg6[%add3A_931, %dma_start3A_940] : memref<512x64xf32, #tpu.memory_space<vmem>> -> memref<1x64xf32, #tpu.memory_space<vmem>>
      %dma_start3A_942 = arith.constant 0 : i32
      %dma_start3A_943 = arith.constant 0 : i32
      %dma_start3A_944 = tpu.memref_slice %arg2[%scan3A, %dma_start3A_942, %dma_start3A_943] : memref<1x1000000x64xf32, #tpu.memory_space<hbm>> -> memref<1x1000000x64xf32, #tpu.memory_space<hbm>>
      %dma_start3A_945 = tpu.memref_squeeze %dma_start3A_944 : memref<1x1000000x64xf32, #tpu.memory_space<hbm>> -> memref<1000000x64xf32, #tpu.memory_space<hbm>>
      %dma_start3A_946 = arith.constant 0 : i32
      %dma_start3A_947 = tpu.memref_slice %dma_start3A_945[%squeeze3A_927, %dma_start3A_946] : memref<1000000x64xf32, #tpu.memory_space<hbm>> -> memref<1x64xf32, #tpu.memory_space<hbm>>
      tpu.enqueue_dma source(%dma_start3A_947 : memref<1x64xf32, #tpu.memory_space<hbm>>) target(%dma_start3A_941 : memref<1x64xf32, #tpu.memory_space<vmem>>) target_semaphore(%arg7 : memref<!tpu.dma_semaphore, #tpu.memory_space<semaphore_mem>>)
      %slice3A_948 = vector.extract_strided_slice %get3A_686 {offsets = [12], sizes = [1], strides = [1]} : vector<16xi32> to vector<1xi32>
      %squeeze3A_949 = vector.extract %slice3A_948[0] : i32 from vector<1xi32>
      %mul3A_950 = arith.constant 16 : i32
      %mul3A_951 = arith.muli %scan3A_681, %mul3A_950 : i32
      %add3A_952 = arith.constant 12 : i32
      %add3A_953 = arith.addi %mul3A_951, %add3A_952 : i32
      %dma_start3A_954 = arith.constant 0 : i32
      %dma_start3A_955 = tpu.memref_slice %arg6[%add3A_953, %dma_start3A_954] : memref<512x64xf32, #tpu.memory_space<vmem>> -> memref<1x64xf32, #tpu.memory_space<vmem>>
      %dma_start3A_956 = arith.constant 0 : i32
      %dma_start3A_957 = arith.constant 0 : i32
      %dma_start3A_958 = tpu.memref_slice %arg2[%scan3A, %dma_start3A_956, %dma_start3A_957] : memref<1x1000000x64xf32, #tpu.memory_space<hbm>> -> memref<1x1000000x64xf32, #tpu.memory_space<hbm>>
      %dma_start3A_959 = tpu.memref_squeeze %dma_start3A_958 : memref<1x1000000x64xf32, #tpu.memory_space<hbm>> -> memref<1000000x64xf32, #tpu.memory_space<hbm>>
      %dma_start3A_960 = arith.constant 0 : i32
      %dma_start3A_961 = tpu.memref_slice %dma_start3A_959[%squeeze3A_949, %dma_start3A_960] : memref<1000000x64xf32, #tpu.memory_space<hbm>> -> memref<1x64xf32, #tpu.memory_space<hbm>>
      %dma_start3A_962 = arith.constant 0 : i32
      %dma_start3A_963 = tpu.memref_slice %arg6[%add3A_953, %dma_start3A_962] : memref<512x64xf32, #tpu.memory_space<vmem>> -> memref<1x64xf32, #tpu.memory_space<vmem>>
      %dma_start3A_964 = arith.constant 0 : i32
      %dma_start3A_965 = arith.constant 0 : i32
      %dma_start3A_966 = tpu.memref_slice %arg2[%scan3A, %dma_start3A_964, %dma_start3A_965] : memref<1x1000000x64xf32, #tpu.memory_space<hbm>> -> memref<1x1000000x64xf32, #tpu.memory_space<hbm>>
      %dma_start3A_967 = tpu.memref_squeeze %dma_start3A_966 : memref<1x1000000x64xf32, #tpu.memory_space<hbm>> -> memref<1000000x64xf32, #tpu.memory_space<hbm>>
      %dma_start3A_968 = arith.constant 0 : i32
      %dma_start3A_969 = tpu.memref_slice %dma_start3A_967[%squeeze3A_949, %dma_start3A_968] : memref<1000000x64xf32, #tpu.memory_space<hbm>> -> memref<1x64xf32, #tpu.memory_space<hbm>>
      tpu.enqueue_dma source(%dma_start3A_969 : memref<1x64xf32, #tpu.memory_space<hbm>>) target(%dma_start3A_963 : memref<1x64xf32, #tpu.memory_space<vmem>>) target_semaphore(%arg7 : memref<!tpu.dma_semaphore, #tpu.memory_space<semaphore_mem>>)
      %slice3A_970 = vector.extract_strided_slice %get3A_686 {offsets = [13], sizes = [1], strides = [1]} : vector<16xi32> to vector<1xi32>
      %squeeze3A_971 = vector.extract %slice3A_970[0] : i32 from vector<1xi32>
      %mul3A_972 = arith.constant 16 : i32
      %mul3A_973 = arith.muli %scan3A_681, %mul3A_972 : i32
      %add3A_974 = arith.constant 13 : i32
      %add3A_975 = arith.addi %mul3A_973, %add3A_974 : i32
      %dma_start3A_976 = arith.constant 0 : i32
      %dma_start3A_977 = tpu.memref_slice %arg6[%add3A_975, %dma_start3A_976] : memref<512x64xf32, #tpu.memory_space<vmem>> -> memref<1x64xf32, #tpu.memory_space<vmem>>
      %dma_start3A_978 = arith.constant 0 : i32
      %dma_start3A_979 = arith.constant 0 : i32
      %dma_start3A_980 = tpu.memref_slice %arg2[%scan3A, %dma_start3A_978, %dma_start3A_979] : memref<1x1000000x64xf32, #tpu.memory_space<hbm>> -> memref<1x1000000x64xf32, #tpu.memory_space<hbm>>
      %dma_start3A_981 = tpu.memref_squeeze %dma_start3A_980 : memref<1x1000000x64xf32, #tpu.memory_space<hbm>> -> memref<1000000x64xf32, #tpu.memory_space<hbm>>
      %dma_start3A_982 = arith.constant 0 : i32
      %dma_start3A_983 = tpu.memref_slice %dma_start3A_981[%squeeze3A_971, %dma_start3A_982] : memref<1000000x64xf32, #tpu.memory_space<hbm>> -> memref<1x64xf32, #tpu.memory_space<hbm>>
      %dma_start3A_984 = arith.constant 0 : i32
      %dma_start3A_985 = tpu.memref_slice %arg6[%add3A_975, %dma_start3A_984] : memref<512x64xf32, #tpu.memory_space<vmem>> -> memref<1x64xf32, #tpu.memory_space<vmem>>
      %dma_start3A_986 = arith.constant 0 : i32
      %dma_start3A_987 = arith.constant 0 : i32
      %dma_start3A_988 = tpu.memref_slice %arg2[%scan3A, %dma_start3A_986, %dma_start3A_987] : memref<1x1000000x64xf32, #tpu.memory_space<hbm>> -> memref<1x1000000x64xf32, #tpu.memory_space<hbm>>
      %dma_start3A_989 = tpu.memref_squeeze %dma_start3A_988 : memref<1x1000000x64xf32, #tpu.memory_space<hbm>> -> memref<1000000x64xf32, #tpu.memory_space<hbm>>
      %dma_start3A_990 = arith.constant 0 : i32
      %dma_start3A_991 = tpu.memref_slice %dma_start3A_989[%squeeze3A_971, %dma_start3A_990] : memref<1000000x64xf32, #tpu.memory_space<hbm>> -> memref<1x64xf32, #tpu.memory_space<hbm>>
      tpu.enqueue_dma source(%dma_start3A_991 : memref<1x64xf32, #tpu.memory_space<hbm>>) target(%dma_start3A_985 : memref<1x64xf32, #tpu.memory_space<vmem>>) target_semaphore(%arg7 : memref<!tpu.dma_semaphore, #tpu.memory_space<semaphore_mem>>)
      %slice3A_992 = vector.extract_strided_slice %get3A_686 {offsets = [14], sizes = [1], strides = [1]} : vector<16xi32> to vector<1xi32>
      %squeeze3A_993 = vector.extract %slice3A_992[0] : i32 from vector<1xi32>
      %mul3A_994 = arith.constant 16 : i32
      %mul3A_995 = arith.muli %scan3A_681, %mul3A_994 : i32
      %add3A_996 = arith.constant 14 : i32
      %add3A_997 = arith.addi %mul3A_995, %add3A_996 : i32
      %dma_start3A_998 = arith.constant 0 : i32
      %dma_start3A_999 = tpu.memref_slice %arg6[%add3A_997, %dma_start3A_998] : memref<512x64xf32, #tpu.memory_space<vmem>> -> memref<1x64xf32, #tpu.memory_space<vmem>>
      %dma_start3A_1000 = arith.constant 0 : i32
      %dma_start3A_1001 = arith.constant 0 : i32
      %dma_start3A_1002 = tpu.memref_slice %arg2[%scan3A, %dma_start3A_1000, %dma_start3A_1001] : memref<1x1000000x64xf32, #tpu.memory_space<hbm>> -> memref<1x1000000x64xf32, #tpu.memory_space<hbm>>
      %dma_start3A_1003 = tpu.memref_squeeze %dma_start3A_1002 : memref<1x1000000x64xf32, #tpu.memory_space<hbm>> -> memref<1000000x64xf32, #tpu.memory_space<hbm>>
      %dma_start3A_1004 = arith.constant 0 : i32
      %dma_start3A_1005 = tpu.memref_slice %dma_start3A_1003[%squeeze3A_993, %dma_start3A_1004] : memref<1000000x64xf32, #tpu.memory_space<hbm>> -> memref<1x64xf32, #tpu.memory_space<hbm>>
      %dma_start3A_1006 = arith.constant 0 : i32
      %dma_start3A_1007 = tpu.memref_slice %arg6[%add3A_997, %dma_start3A_1006] : memref<512x64xf32, #tpu.memory_space<vmem>> -> memref<1x64xf32, #tpu.memory_space<vmem>>
      %dma_start3A_1008 = arith.constant 0 : i32
      %dma_start3A_1009 = arith.constant 0 : i32
      %dma_start3A_1010 = tpu.memref_slice %arg2[%scan3A, %dma_start3A_1008, %dma_start3A_1009] : memref<1x1000000x64xf32, #tpu.memory_space<hbm>> -> memref<1x1000000x64xf32, #tpu.memory_space<hbm>>
      %dma_start3A_1011 = tpu.memref_squeeze %dma_start3A_1010 : memref<1x1000000x64xf32, #tpu.memory_space<hbm>> -> memref<1000000x64xf32, #tpu.memory_space<hbm>>
      %dma_start3A_1012 = arith.constant 0 : i32
      %dma_start3A_1013 = tpu.memref_slice %dma_start3A_1011[%squeeze3A_993, %dma_start3A_1012] : memref<1000000x64xf32, #tpu.memory_space<hbm>> -> memref<1x64xf32, #tpu.memory_space<hbm>>
      tpu.enqueue_dma source(%dma_start3A_1013 : memref<1x64xf32, #tpu.memory_space<hbm>>) target(%dma_start3A_1007 : memref<1x64xf32, #tpu.memory_space<vmem>>) target_semaphore(%arg7 : memref<!tpu.dma_semaphore, #tpu.memory_space<semaphore_mem>>)
      %slice3A_1014 = vector.extract_strided_slice %get3A_686 {offsets = [15], sizes = [1], strides = [1]} : vector<16xi32> to vector<1xi32>
      %squeeze3A_1015 = vector.extract %slice3A_1014[0] : i32 from vector<1xi32>
      %mul3A_1016 = arith.constant 16 : i32
      %mul3A_1017 = arith.muli %scan3A_681, %mul3A_1016 : i32
      %add3A_1018 = arith.constant 15 : i32
      %add3A_1019 = arith.addi %mul3A_1017, %add3A_1018 : i32
      %dma_start3A_1020 = arith.constant 0 : i32
      %dma_start3A_1021 = tpu.memref_slice %arg6[%add3A_1019, %dma_start3A_1020] : memref<512x64xf32, #tpu.memory_space<vmem>> -> memref<1x64xf32, #tpu.memory_space<vmem>>
      %dma_start3A_1022 = arith.constant 0 : i32
      %dma_start3A_1023 = arith.constant 0 : i32
      %dma_start3A_1024 = tpu.memref_slice %arg2[%scan3A, %dma_start3A_1022, %dma_start3A_1023] : memref<1x1000000x64xf32, #tpu.memory_space<hbm>> -> memref<1x1000000x64xf32, #tpu.memory_space<hbm>>
      %dma_start3A_1025 = tpu.memref_squeeze %dma_start3A_1024 : memref<1x1000000x64xf32, #tpu.memory_space<hbm>> -> memref<1000000x64xf32, #tpu.memory_space<hbm>>
      %dma_start3A_1026 = arith.constant 0 : i32
      %dma_start3A_1027 = tpu.memref_slice %dma_start3A_1025[%squeeze3A_1015, %dma_start3A_1026] : memref<1000000x64xf32, #tpu.memory_space<hbm>> -> memref<1x64xf32, #tpu.memory_space<hbm>>
      %dma_start3A_1028 = arith.constant 0 : i32
      %dma_start3A_1029 = tpu.memref_slice %arg6[%add3A_1019, %dma_start3A_1028] : memref<512x64xf32, #tpu.memory_space<vmem>> -> memref<1x64xf32, #tpu.memory_space<vmem>>
      %dma_start3A_1030 = arith.constant 0 : i32
      %dma_start3A_1031 = arith.constant 0 : i32
      %dma_start3A_1032 = tpu.memref_slice %arg2[%scan3A, %dma_start3A_1030, %dma_start3A_1031] : memref<1x1000000x64xf32, #tpu.memory_space<hbm>> -> memref<1x1000000x64xf32, #tpu.memory_space<hbm>>
      %dma_start3A_1033 = tpu.memref_squeeze %dma_start3A_1032 : memref<1x1000000x64xf32, #tpu.memory_space<hbm>> -> memref<1000000x64xf32, #tpu.memory_space<hbm>>
      %dma_start3A_1034 = arith.constant 0 : i32
      %dma_start3A_1035 = tpu.memref_slice %dma_start3A_1033[%squeeze3A_1015, %dma_start3A_1034] : memref<1000000x64xf32, #tpu.memory_space<hbm>> -> memref<1x64xf32, #tpu.memory_space<hbm>>
      tpu.enqueue_dma source(%dma_start3A_1035 : memref<1x64xf32, #tpu.memory_space<hbm>>) target(%dma_start3A_1029 : memref<1x64xf32, #tpu.memory_space<vmem>>) target_semaphore(%arg7 : memref<!tpu.dma_semaphore, #tpu.memory_space<semaphore_mem>>)
      %ge3A = arith.constant 2 : i32
      %ge3A_1036 = arith.cmpi sge, %scan3A_681, %ge3A : i32
      %convert_element_type3A = arith.extui %ge3A_1036 : i1 to i32
      %cond3A = arith.constant 0 : i32
      %cond3A_1037 = arith.cmpi ne, %convert_element_type3A, %cond3A : i32
      scf.if %cond3A_1037 {
        %sub3A = arith.constant 2 : i32
        %sub3A_1039 = arith.subi %scan3A_681, %sub3A : i32
        %mul3A_1040 = arith.constant 16 : i32
        %mul3A_1041 = arith.muli %sub3A_1039, %mul3A_1040 : i32
        %add3A_1042 = arith.constant 0 : i32
        %add3A_1043 = arith.addi %mul3A_1041, %add3A_1042 : i32
        %dma_wait3A_1044 = arith.constant 0 : i32
        %dma_wait3A_1045 = tpu.memref_slice %arg6[%add3A_1043, %dma_wait3A_1044] : memref<512x64xf32, #tpu.memory_space<vmem>> -> memref<1x64xf32, #tpu.memory_space<vmem>>
        %dma_wait3A_1046 = arith.constant 0 : i32
        %dma_wait3A_1047 = arith.constant 0 : i32
        %dma_wait3A_1048 = tpu.memref_slice %arg2[%scan3A, %dma_wait3A_1046, %dma_wait3A_1047] : memref<1x1000000x64xf32, #tpu.memory_space<hbm>> -> memref<1x1000000x64xf32, #tpu.memory_space<hbm>>
        %dma_wait3A_1049 = tpu.memref_squeeze %dma_wait3A_1048 : memref<1x1000000x64xf32, #tpu.memory_space<hbm>> -> memref<1000000x64xf32, #tpu.memory_space<hbm>>
        %dma_wait3A_1050 = arith.constant 0 : i32
        %dma_wait3A_1051 = arith.constant 0 : i32
        %dma_wait3A_1052 = tpu.memref_slice %dma_wait3A_1049[%dma_wait3A_1050, %dma_wait3A_1051] : memref<1000000x64xf32, #tpu.memory_space<hbm>> -> memref<1x64xf32, #tpu.memory_space<hbm>>
        %dma_wait3A_1053 = arith.constant 0 : i32
        %dma_wait3A_1054 = tpu.memref_slice %arg6[%add3A_1043, %dma_wait3A_1053] : memref<512x64xf32, #tpu.memory_space<vmem>> -> memref<1x64xf32, #tpu.memory_space<vmem>>
        %dma_wait3A_1055 = arith.constant 0 : i32
        %dma_wait3A_1056 = arith.constant 0 : i32
        %dma_wait3A_1057 = tpu.memref_slice %arg2[%scan3A, %dma_wait3A_1055, %dma_wait3A_1056] : memref<1x1000000x64xf32, #tpu.memory_space<hbm>> -> memref<1x1000000x64xf32, #tpu.memory_space<hbm>>
        %dma_wait3A_1058 = tpu.memref_squeeze %dma_wait3A_1057 : memref<1x1000000x64xf32, #tpu.memory_space<hbm>> -> memref<1000000x64xf32, #tpu.memory_space<hbm>>
        %dma_wait3A_1059 = arith.constant 0 : i32
        %dma_wait3A_1060 = arith.constant 0 : i32
        %dma_wait3A_1061 = tpu.memref_slice %dma_wait3A_1058[%dma_wait3A_1059, %dma_wait3A_1060] : memref<1000000x64xf32, #tpu.memory_space<hbm>> -> memref<1x64xf32, #tpu.memory_space<hbm>>
        tpu.wait_dma2 semaphore(%arg7 : memref<!tpu.dma_semaphore, #tpu.memory_space<semaphore_mem>>) src(%dma_wait3A_1061 : memref<1x64xf32, #tpu.memory_space<hbm>>) dst(%dma_wait3A_1054 : memref<1x64xf32, #tpu.memory_space<vmem>>)
        %sub3A_1062 = arith.constant 2 : i32
        %sub3A_1063 = arith.subi %scan3A_681, %sub3A_1062 : i32
        %mul3A_1064 = arith.constant 16 : i32
        %mul3A_1065 = arith.muli %sub3A_1063, %mul3A_1064 : i32
        %add3A_1066 = arith.constant 1 : i32
        %add3A_1067 = arith.addi %mul3A_1065, %add3A_1066 : i32
        %dma_wait3A_1068 = arith.constant 0 : i32
        %dma_wait3A_1069 = tpu.memref_slice %arg6[%add3A_1067, %dma_wait3A_1068] : memref<512x64xf32, #tpu.memory_space<vmem>> -> memref<1x64xf32, #tpu.memory_space<vmem>>
        %dma_wait3A_1070 = arith.constant 0 : i32
        %dma_wait3A_1071 = arith.constant 0 : i32
        %dma_wait3A_1072 = tpu.memref_slice %arg2[%scan3A, %dma_wait3A_1070, %dma_wait3A_1071] : memref<1x1000000x64xf32, #tpu.memory_space<hbm>> -> memref<1x1000000x64xf32, #tpu.memory_space<hbm>>
        %dma_wait3A_1073 = tpu.memref_squeeze %dma_wait3A_1072 : memref<1x1000000x64xf32, #tpu.memory_space<hbm>> -> memref<1000000x64xf32, #tpu.memory_space<hbm>>
        %dma_wait3A_1074 = arith.constant 0 : i32
        %dma_wait3A_1075 = arith.constant 0 : i32
        %dma_wait3A_1076 = tpu.memref_slice %dma_wait3A_1073[%dma_wait3A_1074, %dma_wait3A_1075] : memref<1000000x64xf32, #tpu.memory_space<hbm>> -> memref<1x64xf32, #tpu.memory_space<hbm>>
        %dma_wait3A_1077 = arith.constant 0 : i32
        %dma_wait3A_1078 = tpu.memref_slice %arg6[%add3A_1067, %dma_wait3A_1077] : memref<512x64xf32, #tpu.memory_space<vmem>> -> memref<1x64xf32, #tpu.memory_space<vmem>>
        %dma_wait3A_1079 = arith.constant 0 : i32
        %dma_wait3A_1080 = arith.constant 0 : i32
        %dma_wait3A_1081 = tpu.memref_slice %arg2[%scan3A, %dma_wait3A_1079, %dma_wait3A_1080] : memref<1x1000000x64xf32, #tpu.memory_space<hbm>> -> memref<1x1000000x64xf32, #tpu.memory_space<hbm>>
        %dma_wait3A_1082 = tpu.memref_squeeze %dma_wait3A_1081 : memref<1x1000000x64xf32, #tpu.memory_space<hbm>> -> memref<1000000x64xf32, #tpu.memory_space<hbm>>
        %dma_wait3A_1083 = arith.constant 0 : i32
        %dma_wait3A_1084 = arith.constant 0 : i32
        %dma_wait3A_1085 = tpu.memref_slice %dma_wait3A_1082[%dma_wait3A_1083, %dma_wait3A_1084] : memref<1000000x64xf32, #tpu.memory_space<hbm>> -> memref<1x64xf32, #tpu.memory_space<hbm>>
        tpu.wait_dma2 semaphore(%arg7 : memref<!tpu.dma_semaphore, #tpu.memory_space<semaphore_mem>>) src(%dma_wait3A_1085 : memref<1x64xf32, #tpu.memory_space<hbm>>) dst(%dma_wait3A_1078 : memref<1x64xf32, #tpu.memory_space<vmem>>)
        %sub3A_1086 = arith.constant 2 : i32
        %sub3A_1087 = arith.subi %scan3A_681, %sub3A_1086 : i32
        %mul3A_1088 = arith.constant 16 : i32
        %mul3A_1089 = arith.muli %sub3A_1087, %mul3A_1088 : i32
        %add3A_1090 = arith.constant 2 : i32
        %add3A_1091 = arith.addi %mul3A_1089, %add3A_1090 : i32
        %dma_wait3A_1092 = arith.constant 0 : i32
        %dma_wait3A_1093 = tpu.memref_slice %arg6[%add3A_1091, %dma_wait3A_1092] : memref<512x64xf32, #tpu.memory_space<vmem>> -> memref<1x64xf32, #tpu.memory_space<vmem>>
        %dma_wait3A_1094 = arith.constant 0 : i32
        %dma_wait3A_1095 = arith.constant 0 : i32
        %dma_wait3A_1096 = tpu.memref_slice %arg2[%scan3A, %dma_wait3A_1094, %dma_wait3A_1095] : memref<1x1000000x64xf32, #tpu.memory_space<hbm>> -> memref<1x1000000x64xf32, #tpu.memory_space<hbm>>
        %dma_wait3A_1097 = tpu.memref_squeeze %dma_wait3A_1096 : memref<1x1000000x64xf32, #tpu.memory_space<hbm>> -> memref<1000000x64xf32, #tpu.memory_space<hbm>>
        %dma_wait3A_1098 = arith.constant 0 : i32
        %dma_wait3A_1099 = arith.constant 0 : i32
        %dma_wait3A_1100 = tpu.memref_slice %dma_wait3A_1097[%dma_wait3A_1098, %dma_wait3A_1099] : memref<1000000x64xf32, #tpu.memory_space<hbm>> -> memref<1x64xf32, #tpu.memory_space<hbm>>
        %dma_wait3A_1101 = arith.constant 0 : i32
        %dma_wait3A_1102 = tpu.memref_slice %arg6[%add3A_1091, %dma_wait3A_1101] : memref<512x64xf32, #tpu.memory_space<vmem>> -> memref<1x64xf32, #tpu.memory_space<vmem>>
        %dma_wait3A_1103 = arith.constant 0 : i32
        %dma_wait3A_1104 = arith.constant 0 : i32
        %dma_wait3A_1105 = tpu.memref_slice %arg2[%scan3A, %dma_wait3A_1103, %dma_wait3A_1104] : memref<1x1000000x64xf32, #tpu.memory_space<hbm>> -> memref<1x1000000x64xf32, #tpu.memory_space<hbm>>
        %dma_wait3A_1106 = tpu.memref_squeeze %dma_wait3A_1105 : memref<1x1000000x64xf32, #tpu.memory_space<hbm>> -> memref<1000000x64xf32, #tpu.memory_space<hbm>>
        %dma_wait3A_1107 = arith.constant 0 : i32
        %dma_wait3A_1108 = arith.constant 0 : i32
        %dma_wait3A_1109 = tpu.memref_slice %dma_wait3A_1106[%dma_wait3A_1107, %dma_wait3A_1108] : memref<1000000x64xf32, #tpu.memory_space<hbm>> -> memref<1x64xf32, #tpu.memory_space<hbm>>
        tpu.wait_dma2 semaphore(%arg7 : memref<!tpu.dma_semaphore, #tpu.memory_space<semaphore_mem>>) src(%dma_wait3A_1109 : memref<1x64xf32, #tpu.memory_space<hbm>>) dst(%dma_wait3A_1102 : memref<1x64xf32, #tpu.memory_space<vmem>>)
        %sub3A_1110 = arith.constant 2 : i32
        %sub3A_1111 = arith.subi %scan3A_681, %sub3A_1110 : i32
        %mul3A_1112 = arith.constant 16 : i32
        %mul3A_1113 = arith.muli %sub3A_1111, %mul3A_1112 : i32
        %add3A_1114 = arith.constant 3 : i32
        %add3A_1115 = arith.addi %mul3A_1113, %add3A_1114 : i32
        %dma_wait3A_1116 = arith.constant 0 : i32
        %dma_wait3A_1117 = tpu.memref_slice %arg6[%add3A_1115, %dma_wait3A_1116] : memref<512x64xf32, #tpu.memory_space<vmem>> -> memref<1x64xf32, #tpu.memory_space<vmem>>
        %dma_wait3A_1118 = arith.constant 0 : i32
        %dma_wait3A_1119 = arith.constant 0 : i32
        %dma_wait3A_1120 = tpu.memref_slice %arg2[%scan3A, %dma_wait3A_1118, %dma_wait3A_1119] : memref<1x1000000x64xf32, #tpu.memory_space<hbm>> -> memref<1x1000000x64xf32, #tpu.memory_space<hbm>>
        %dma_wait3A_1121 = tpu.memref_squeeze %dma_wait3A_1120 : memref<1x1000000x64xf32, #tpu.memory_space<hbm>> -> memref<1000000x64xf32, #tpu.memory_space<hbm>>
        %dma_wait3A_1122 = arith.constant 0 : i32
        %dma_wait3A_1123 = arith.constant 0 : i32
        %dma_wait3A_1124 = tpu.memref_slice %dma_wait3A_1121[%dma_wait3A_1122, %dma_wait3A_1123] : memref<1000000x64xf32, #tpu.memory_space<hbm>> -> memref<1x64xf32, #tpu.memory_space<hbm>>
        %dma_wait3A_1125 = arith.constant 0 : i32
        %dma_wait3A_1126 = tpu.memref_slice %arg6[%add3A_1115, %dma_wait3A_1125] : memref<512x64xf32, #tpu.memory_space<vmem>> -> memref<1x64xf32, #tpu.memory_space<vmem>>
        %dma_wait3A_1127 = arith.constant 0 : i32
        %dma_wait3A_1128 = arith.constant 0 : i32
        %dma_wait3A_1129 = tpu.memref_slice %arg2[%scan3A, %dma_wait3A_1127, %dma_wait3A_1128] : memref<1x1000000x64xf32, #tpu.memory_space<hbm>> -> memref<1x1000000x64xf32, #tpu.memory_space<hbm>>
        %dma_wait3A_1130 = tpu.memref_squeeze %dma_wait3A_1129 : memref<1x1000000x64xf32, #tpu.memory_space<hbm>> -> memref<1000000x64xf32, #tpu.memory_space<hbm>>
        %dma_wait3A_1131 = arith.constant 0 : i32
        %dma_wait3A_1132 = arith.constant 0 : i32
        %dma_wait3A_1133 = tpu.memref_slice %dma_wait3A_1130[%dma_wait3A_1131, %dma_wait3A_1132] : memref<1000000x64xf32, #tpu.memory_space<hbm>> -> memref<1x64xf32, #tpu.memory_space<hbm>>
        tpu.wait_dma2 semaphore(%arg7 : memref<!tpu.dma_semaphore, #tpu.memory_space<semaphore_mem>>) src(%dma_wait3A_1133 : memref<1x64xf32, #tpu.memory_space<hbm>>) dst(%dma_wait3A_1126 : memref<1x64xf32, #tpu.memory_space<vmem>>)
        %sub3A_1134 = arith.constant 2 : i32
        %sub3A_1135 = arith.subi %scan3A_681, %sub3A_1134 : i32
        %mul3A_1136 = arith.constant 16 : i32
        %mul3A_1137 = arith.muli %sub3A_1135, %mul3A_1136 : i32
        %add3A_1138 = arith.constant 4 : i32
        %add3A_1139 = arith.addi %mul3A_1137, %add3A_1138 : i32
        %dma_wait3A_1140 = arith.constant 0 : i32
        %dma_wait3A_1141 = tpu.memref_slice %arg6[%add3A_1139, %dma_wait3A_1140] : memref<512x64xf32, #tpu.memory_space<vmem>> -> memref<1x64xf32, #tpu.memory_space<vmem>>
        %dma_wait3A_1142 = arith.constant 0 : i32
        %dma_wait3A_1143 = arith.constant 0 : i32
        %dma_wait3A_1144 = tpu.memref_slice %arg2[%scan3A, %dma_wait3A_1142, %dma_wait3A_1143] : memref<1x1000000x64xf32, #tpu.memory_space<hbm>> -> memref<1x1000000x64xf32, #tpu.memory_space<hbm>>
        %dma_wait3A_1145 = tpu.memref_squeeze %dma_wait3A_1144 : memref<1x1000000x64xf32, #tpu.memory_space<hbm>> -> memref<1000000x64xf32, #tpu.memory_space<hbm>>
        %dma_wait3A_1146 = arith.constant 0 : i32
        %dma_wait3A_1147 = arith.constant 0 : i32
        %dma_wait3A_1148 = tpu.memref_slice %dma_wait3A_1145[%dma_wait3A_1146, %dma_wait3A_1147] : memref<1000000x64xf32, #tpu.memory_space<hbm>> -> memref<1x64xf32, #tpu.memory_space<hbm>>
        %dma_wait3A_1149 = arith.constant 0 : i32
        %dma_wait3A_1150 = tpu.memref_slice %arg6[%add3A_1139, %dma_wait3A_1149] : memref<512x64xf32, #tpu.memory_space<vmem>> -> memref<1x64xf32, #tpu.memory_space<vmem>>
        %dma_wait3A_1151 = arith.constant 0 : i32
        %dma_wait3A_1152 = arith.constant 0 : i32
        %dma_wait3A_1153 = tpu.memref_slice %arg2[%scan3A, %dma_wait3A_1151, %dma_wait3A_1152] : memref<1x1000000x64xf32, #tpu.memory_space<hbm>> -> memref<1x1000000x64xf32, #tpu.memory_space<hbm>>
        %dma_wait3A_1154 = tpu.memref_squeeze %dma_wait3A_1153 : memref<1x1000000x64xf32, #tpu.memory_space<hbm>> -> memref<1000000x64xf32, #tpu.memory_space<hbm>>
        %dma_wait3A_1155 = arith.constant 0 : i32
        %dma_wait3A_1156 = arith.constant 0 : i32
        %dma_wait3A_1157 = tpu.memref_slice %dma_wait3A_1154[%dma_wait3A_1155, %dma_wait3A_1156] : memref<1000000x64xf32, #tpu.memory_space<hbm>> -> memref<1x64xf32, #tpu.memory_space<hbm>>
        tpu.wait_dma2 semaphore(%arg7 : memref<!tpu.dma_semaphore, #tpu.memory_space<semaphore_mem>>) src(%dma_wait3A_1157 : memref<1x64xf32, #tpu.memory_space<hbm>>) dst(%dma_wait3A_1150 : memref<1x64xf32, #tpu.memory_space<vmem>>)
        %sub3A_1158 = arith.constant 2 : i32
        %sub3A_1159 = arith.subi %scan3A_681, %sub3A_1158 : i32
        %mul3A_1160 = arith.constant 16 : i32
        %mul3A_1161 = arith.muli %sub3A_1159, %mul3A_1160 : i32
        %add3A_1162 = arith.constant 5 : i32
        %add3A_1163 = arith.addi %mul3A_1161, %add3A_1162 : i32
        %dma_wait3A_1164 = arith.constant 0 : i32
        %dma_wait3A_1165 = tpu.memref_slice %arg6[%add3A_1163, %dma_wait3A_1164] : memref<512x64xf32, #tpu.memory_space<vmem>> -> memref<1x64xf32, #tpu.memory_space<vmem>>
        %dma_wait3A_1166 = arith.constant 0 : i32
        %dma_wait3A_1167 = arith.constant 0 : i32
        %dma_wait3A_1168 = tpu.memref_slice %arg2[%scan3A, %dma_wait3A_1166, %dma_wait3A_1167] : memref<1x1000000x64xf32, #tpu.memory_space<hbm>> -> memref<1x1000000x64xf32, #tpu.memory_space<hbm>>
        %dma_wait3A_1169 = tpu.memref_squeeze %dma_wait3A_1168 : memref<1x1000000x64xf32, #tpu.memory_space<hbm>> -> memref<1000000x64xf32, #tpu.memory_space<hbm>>
        %dma_wait3A_1170 = arith.constant 0 : i32
        %dma_wait3A_1171 = arith.constant 0 : i32
        %dma_wait3A_1172 = tpu.memref_slice %dma_wait3A_1169[%dma_wait3A_1170, %dma_wait3A_1171] : memref<1000000x64xf32, #tpu.memory_space<hbm>> -> memref<1x64xf32, #tpu.memory_space<hbm>>
        %dma_wait3A_1173 = arith.constant 0 : i32
        %dma_wait3A_1174 = tpu.memref_slice %arg6[%add3A_1163, %dma_wait3A_1173] : memref<512x64xf32, #tpu.memory_space<vmem>> -> memref<1x64xf32, #tpu.memory_space<vmem>>
        %dma_wait3A_1175 = arith.constant 0 : i32
        %dma_wait3A_1176 = arith.constant 0 : i32
        %dma_wait3A_1177 = tpu.memref_slice %arg2[%scan3A, %dma_wait3A_1175, %dma_wait3A_1176] : memref<1x1000000x64xf32, #tpu.memory_space<hbm>> -> memref<1x1000000x64xf32, #tpu.memory_space<hbm>>
        %dma_wait3A_1178 = tpu.memref_squeeze %dma_wait3A_1177 : memref<1x1000000x64xf32, #tpu.memory_space<hbm>> -> memref<1000000x64xf32, #tpu.memory_space<hbm>>
        %dma_wait3A_1179 = arith.constant 0 : i32
        %dma_wait3A_1180 = arith.constant 0 : i32
        %dma_wait3A_1181 = tpu.memref_slice %dma_wait3A_1178[%dma_wait3A_1179, %dma_wait3A_1180] : memref<1000000x64xf32, #tpu.memory_space<hbm>> -> memref<1x64xf32, #tpu.memory_space<hbm>>
        tpu.wait_dma2 semaphore(%arg7 : memref<!tpu.dma_semaphore, #tpu.memory_space<semaphore_mem>>) src(%dma_wait3A_1181 : memref<1x64xf32, #tpu.memory_space<hbm>>) dst(%dma_wait3A_1174 : memref<1x64xf32, #tpu.memory_space<vmem>>)
        %sub3A_1182 = arith.constant 2 : i32
        %sub3A_1183 = arith.subi %scan3A_681, %sub3A_1182 : i32
        %mul3A_1184 = arith.constant 16 : i32
        %mul3A_1185 = arith.muli %sub3A_1183, %mul3A_1184 : i32
        %add3A_1186 = arith.constant 6 : i32
        %add3A_1187 = arith.addi %mul3A_1185, %add3A_1186 : i32
        %dma_wait3A_1188 = arith.constant 0 : i32
        %dma_wait3A_1189 = tpu.memref_slice %arg6[%add3A_1187, %dma_wait3A_1188] : memref<512x64xf32, #tpu.memory_space<vmem>> -> memref<1x64xf32, #tpu.memory_space<vmem>>
        %dma_wait3A_1190 = arith.constant 0 : i32
        %dma_wait3A_1191 = arith.constant 0 : i32
        %dma_wait3A_1192 = tpu.memref_slice %arg2[%scan3A, %dma_wait3A_1190, %dma_wait3A_1191] : memref<1x1000000x64xf32, #tpu.memory_space<hbm>> -> memref<1x1000000x64xf32, #tpu.memory_space<hbm>>
        %dma_wait3A_1193 = tpu.memref_squeeze %dma_wait3A_1192 : memref<1x1000000x64xf32, #tpu.memory_space<hbm>> -> memref<1000000x64xf32, #tpu.memory_space<hbm>>
        %dma_wait3A_1194 = arith.constant 0 : i32
        %dma_wait3A_1195 = arith.constant 0 : i32
        %dma_wait3A_1196 = tpu.memref_slice %dma_wait3A_1193[%dma_wait3A_1194, %dma_wait3A_1195] : memref<1000000x64xf32, #tpu.memory_space<hbm>> -> memref<1x64xf32, #tpu.memory_space<hbm>>
        %dma_wait3A_1197 = arith.constant 0 : i32
        %dma_wait3A_1198 = tpu.memref_slice %arg6[%add3A_1187, %dma_wait3A_1197] : memref<512x64xf32, #tpu.memory_space<vmem>> -> memref<1x64xf32, #tpu.memory_space<vmem>>
        %dma_wait3A_1199 = arith.constant 0 : i32
        %dma_wait3A_1200 = arith.constant 0 : i32
        %dma_wait3A_1201 = tpu.memref_slice %arg2[%scan3A, %dma_wait3A_1199, %dma_wait3A_1200] : memref<1x1000000x64xf32, #tpu.memory_space<hbm>> -> memref<1x1000000x64xf32, #tpu.memory_space<hbm>>
        %dma_wait3A_1202 = tpu.memref_squeeze %dma_wait3A_1201 : memref<1x1000000x64xf32, #tpu.memory_space<hbm>> -> memref<1000000x64xf32, #tpu.memory_space<hbm>>
        %dma_wait3A_1203 = arith.constant 0 : i32
        %dma_wait3A_1204 = arith.constant 0 : i32
        %dma_wait3A_1205 = tpu.memref_slice %dma_wait3A_1202[%dma_wait3A_1203, %dma_wait3A_1204] : memref<1000000x64xf32, #tpu.memory_space<hbm>> -> memref<1x64xf32, #tpu.memory_space<hbm>>
        tpu.wait_dma2 semaphore(%arg7 : memref<!tpu.dma_semaphore, #tpu.memory_space<semaphore_mem>>) src(%dma_wait3A_1205 : memref<1x64xf32, #tpu.memory_space<hbm>>) dst(%dma_wait3A_1198 : memref<1x64xf32, #tpu.memory_space<vmem>>)
        %sub3A_1206 = arith.constant 2 : i32
        %sub3A_1207 = arith.subi %scan3A_681, %sub3A_1206 : i32
        %mul3A_1208 = arith.constant 16 : i32
        %mul3A_1209 = arith.muli %sub3A_1207, %mul3A_1208 : i32
        %add3A_1210 = arith.constant 7 : i32
        %add3A_1211 = arith.addi %mul3A_1209, %add3A_1210 : i32
        %dma_wait3A_1212 = arith.constant 0 : i32
        %dma_wait3A_1213 = tpu.memref_slice %arg6[%add3A_1211, %dma_wait3A_1212] : memref<512x64xf32, #tpu.memory_space<vmem>> -> memref<1x64xf32, #tpu.memory_space<vmem>>
        %dma_wait3A_1214 = arith.constant 0 : i32
        %dma_wait3A_1215 = arith.constant 0 : i32
        %dma_wait3A_1216 = tpu.memref_slice %arg2[%scan3A, %dma_wait3A_1214, %dma_wait3A_1215] : memref<1x1000000x64xf32, #tpu.memory_space<hbm>> -> memref<1x1000000x64xf32, #tpu.memory_space<hbm>>
        %dma_wait3A_1217 = tpu.memref_squeeze %dma_wait3A_1216 : memref<1x1000000x64xf32, #tpu.memory_space<hbm>> -> memref<1000000x64xf32, #tpu.memory_space<hbm>>
        %dma_wait3A_1218 = arith.constant 0 : i32
        %dma_wait3A_1219 = arith.constant 0 : i32
        %dma_wait3A_1220 = tpu.memref_slice %dma_wait3A_1217[%dma_wait3A_1218, %dma_wait3A_1219] : memref<1000000x64xf32, #tpu.memory_space<hbm>> -> memref<1x64xf32, #tpu.memory_space<hbm>>
        %dma_wait3A_1221 = arith.constant 0 : i32
        %dma_wait3A_1222 = tpu.memref_slice %arg6[%add3A_1211, %dma_wait3A_1221] : memref<512x64xf32, #tpu.memory_space<vmem>> -> memref<1x64xf32, #tpu.memory_space<vmem>>
        %dma_wait3A_1223 = arith.constant 0 : i32
        %dma_wait3A_1224 = arith.constant 0 : i32
        %dma_wait3A_1225 = tpu.memref_slice %arg2[%scan3A, %dma_wait3A_1223, %dma_wait3A_1224] : memref<1x1000000x64xf32, #tpu.memory_space<hbm>> -> memref<1x1000000x64xf32, #tpu.memory_space<hbm>>
        %dma_wait3A_1226 = tpu.memref_squeeze %dma_wait3A_1225 : memref<1x1000000x64xf32, #tpu.memory_space<hbm>> -> memref<1000000x64xf32, #tpu.memory_space<hbm>>
        %dma_wait3A_1227 = arith.constant 0 : i32
        %dma_wait3A_1228 = arith.constant 0 : i32
        %dma_wait3A_1229 = tpu.memref_slice %dma_wait3A_1226[%dma_wait3A_1227, %dma_wait3A_1228] : memref<1000000x64xf32, #tpu.memory_space<hbm>> -> memref<1x64xf32, #tpu.memory_space<hbm>>
        tpu.wait_dma2 semaphore(%arg7 : memref<!tpu.dma_semaphore, #tpu.memory_space<semaphore_mem>>) src(%dma_wait3A_1229 : memref<1x64xf32, #tpu.memory_space<hbm>>) dst(%dma_wait3A_1222 : memref<1x64xf32, #tpu.memory_space<vmem>>)
        %sub3A_1230 = arith.constant 2 : i32
        %sub3A_1231 = arith.subi %scan3A_681, %sub3A_1230 : i32
        %mul3A_1232 = arith.constant 16 : i32
        %mul3A_1233 = arith.muli %sub3A_1231, %mul3A_1232 : i32
        %add3A_1234 = arith.constant 8 : i32
        %add3A_1235 = arith.addi %mul3A_1233, %add3A_1234 : i32
        %dma_wait3A_1236 = arith.constant 0 : i32
        %dma_wait3A_1237 = tpu.memref_slice %arg6[%add3A_1235, %dma_wait3A_1236] : memref<512x64xf32, #tpu.memory_space<vmem>> -> memref<1x64xf32, #tpu.memory_space<vmem>>
        %dma_wait3A_1238 = arith.constant 0 : i32
        %dma_wait3A_1239 = arith.constant 0 : i32
        %dma_wait3A_1240 = tpu.memref_slice %arg2[%scan3A, %dma_wait3A_1238, %dma_wait3A_1239] : memref<1x1000000x64xf32, #tpu.memory_space<hbm>> -> memref<1x1000000x64xf32, #tpu.memory_space<hbm>>
        %dma_wait3A_1241 = tpu.memref_squeeze %dma_wait3A_1240 : memref<1x1000000x64xf32, #tpu.memory_space<hbm>> -> memref<1000000x64xf32, #tpu.memory_space<hbm>>
        %dma_wait3A_1242 = arith.constant 0 : i32
        %dma_wait3A_1243 = arith.constant 0 : i32
        %dma_wait3A_1244 = tpu.memref_slice %dma_wait3A_1241[%dma_wait3A_1242, %dma_wait3A_1243] : memref<1000000x64xf32, #tpu.memory_space<hbm>> -> memref<1x64xf32, #tpu.memory_space<hbm>>
        %dma_wait3A_1245 = arith.constant 0 : i32
        %dma_wait3A_1246 = tpu.memref_slice %arg6[%add3A_1235, %dma_wait3A_1245] : memref<512x64xf32, #tpu.memory_space<vmem>> -> memref<1x64xf32, #tpu.memory_space<vmem>>
        %dma_wait3A_1247 = arith.constant 0 : i32
        %dma_wait3A_1248 = arith.constant 0 : i32
        %dma_wait3A_1249 = tpu.memref_slice %arg2[%scan3A, %dma_wait3A_1247, %dma_wait3A_1248] : memref<1x1000000x64xf32, #tpu.memory_space<hbm>> -> memref<1x1000000x64xf32, #tpu.memory_space<hbm>>
        %dma_wait3A_1250 = tpu.memref_squeeze %dma_wait3A_1249 : memref<1x1000000x64xf32, #tpu.memory_space<hbm>> -> memref<1000000x64xf32, #tpu.memory_space<hbm>>
        %dma_wait3A_1251 = arith.constant 0 : i32
        %dma_wait3A_1252 = arith.constant 0 : i32
        %dma_wait3A_1253 = tpu.memref_slice %dma_wait3A_1250[%dma_wait3A_1251, %dma_wait3A_1252] : memref<1000000x64xf32, #tpu.memory_space<hbm>> -> memref<1x64xf32, #tpu.memory_space<hbm>>
        tpu.wait_dma2 semaphore(%arg7 : memref<!tpu.dma_semaphore, #tpu.memory_space<semaphore_mem>>) src(%dma_wait3A_1253 : memref<1x64xf32, #tpu.memory_space<hbm>>) dst(%dma_wait3A_1246 : memref<1x64xf32, #tpu.memory_space<vmem>>)
        %sub3A_1254 = arith.constant 2 : i32
        %sub3A_1255 = arith.subi %scan3A_681, %sub3A_1254 : i32
        %mul3A_1256 = arith.constant 16 : i32
        %mul3A_1257 = arith.muli %sub3A_1255, %mul3A_1256 : i32
        %add3A_1258 = arith.constant 9 : i32
        %add3A_1259 = arith.addi %mul3A_1257, %add3A_1258 : i32
        %dma_wait3A_1260 = arith.constant 0 : i32
        %dma_wait3A_1261 = tpu.memref_slice %arg6[%add3A_1259, %dma_wait3A_1260] : memref<512x64xf32, #tpu.memory_space<vmem>> -> memref<1x64xf32, #tpu.memory_space<vmem>>
        %dma_wait3A_1262 = arith.constant 0 : i32
        %dma_wait3A_1263 = arith.constant 0 : i32
        %dma_wait3A_1264 = tpu.memref_slice %arg2[%scan3A, %dma_wait3A_1262, %dma_wait3A_1263] : memref<1x1000000x64xf32, #tpu.memory_space<hbm>> -> memref<1x1000000x64xf32, #tpu.memory_space<hbm>>
        %dma_wait3A_1265 = tpu.memref_squeeze %dma_wait3A_1264 : memref<1x1000000x64xf32, #tpu.memory_space<hbm>> -> memref<1000000x64xf32, #tpu.memory_space<hbm>>
        %dma_wait3A_1266 = arith.constant 0 : i32
        %dma_wait3A_1267 = arith.constant 0 : i32
        %dma_wait3A_1268 = tpu.memref_slice %dma_wait3A_1265[%dma_wait3A_1266, %dma_wait3A_1267] : memref<1000000x64xf32, #tpu.memory_space<hbm>> -> memref<1x64xf32, #tpu.memory_space<hbm>>
        %dma_wait3A_1269 = arith.constant 0 : i32
        %dma_wait3A_1270 = tpu.memref_slice %arg6[%add3A_1259, %dma_wait3A_1269] : memref<512x64xf32, #tpu.memory_space<vmem>> -> memref<1x64xf32, #tpu.memory_space<vmem>>
        %dma_wait3A_1271 = arith.constant 0 : i32
        %dma_wait3A_1272 = arith.constant 0 : i32
        %dma_wait3A_1273 = tpu.memref_slice %arg2[%scan3A, %dma_wait3A_1271, %dma_wait3A_1272] : memref<1x1000000x64xf32, #tpu.memory_space<hbm>> -> memref<1x1000000x64xf32, #tpu.memory_space<hbm>>
        %dma_wait3A_1274 = tpu.memref_squeeze %dma_wait3A_1273 : memref<1x1000000x64xf32, #tpu.memory_space<hbm>> -> memref<1000000x64xf32, #tpu.memory_space<hbm>>
        %dma_wait3A_1275 = arith.constant 0 : i32
        %dma_wait3A_1276 = arith.constant 0 : i32
        %dma_wait3A_1277 = tpu.memref_slice %dma_wait3A_1274[%dma_wait3A_1275, %dma_wait3A_1276] : memref<1000000x64xf32, #tpu.memory_space<hbm>> -> memref<1x64xf32, #tpu.memory_space<hbm>>
        tpu.wait_dma2 semaphore(%arg7 : memref<!tpu.dma_semaphore, #tpu.memory_space<semaphore_mem>>) src(%dma_wait3A_1277 : memref<1x64xf32, #tpu.memory_space<hbm>>) dst(%dma_wait3A_1270 : memref<1x64xf32, #tpu.memory_space<vmem>>)
        %sub3A_1278 = arith.constant 2 : i32
        %sub3A_1279 = arith.subi %scan3A_681, %sub3A_1278 : i32
        %mul3A_1280 = arith.constant 16 : i32
        %mul3A_1281 = arith.muli %sub3A_1279, %mul3A_1280 : i32
        %add3A_1282 = arith.constant 10 : i32
        %add3A_1283 = arith.addi %mul3A_1281, %add3A_1282 : i32
        %dma_wait3A_1284 = arith.constant 0 : i32
        %dma_wait3A_1285 = tpu.memref_slice %arg6[%add3A_1283, %dma_wait3A_1284] : memref<512x64xf32, #tpu.memory_space<vmem>> -> memref<1x64xf32, #tpu.memory_space<vmem>>
        %dma_wait3A_1286 = arith.constant 0 : i32
        %dma_wait3A_1287 = arith.constant 0 : i32
        %dma_wait3A_1288 = tpu.memref_slice %arg2[%scan3A, %dma_wait3A_1286, %dma_wait3A_1287] : memref<1x1000000x64xf32, #tpu.memory_space<hbm>> -> memref<1x1000000x64xf32, #tpu.memory_space<hbm>>
        %dma_wait3A_1289 = tpu.memref_squeeze %dma_wait3A_1288 : memref<1x1000000x64xf32, #tpu.memory_space<hbm>> -> memref<1000000x64xf32, #tpu.memory_space<hbm>>
        %dma_wait3A_1290 = arith.constant 0 : i32
        %dma_wait3A_1291 = arith.constant 0 : i32
        %dma_wait3A_1292 = tpu.memref_slice %dma_wait3A_1289[%dma_wait3A_1290, %dma_wait3A_1291] : memref<1000000x64xf32, #tpu.memory_space<hbm>> -> memref<1x64xf32, #tpu.memory_space<hbm>>
        %dma_wait3A_1293 = arith.constant 0 : i32
        %dma_wait3A_1294 = tpu.memref_slice %arg6[%add3A_1283, %dma_wait3A_1293] : memref<512x64xf32, #tpu.memory_space<vmem>> -> memref<1x64xf32, #tpu.memory_space<vmem>>
        %dma_wait3A_1295 = arith.constant 0 : i32
        %dma_wait3A_1296 = arith.constant 0 : i32
        %dma_wait3A_1297 = tpu.memref_slice %arg2[%scan3A, %dma_wait3A_1295, %dma_wait3A_1296] : memref<1x1000000x64xf32, #tpu.memory_space<hbm>> -> memref<1x1000000x64xf32, #tpu.memory_space<hbm>>
        %dma_wait3A_1298 = tpu.memref_squeeze %dma_wait3A_1297 : memref<1x1000000x64xf32, #tpu.memory_space<hbm>> -> memref<1000000x64xf32, #tpu.memory_space<hbm>>
        %dma_wait3A_1299 = arith.constant 0 : i32
        %dma_wait3A_1300 = arith.constant 0 : i32
        %dma_wait3A_1301 = tpu.memref_slice %dma_wait3A_1298[%dma_wait3A_1299, %dma_wait3A_1300] : memref<1000000x64xf32, #tpu.memory_space<hbm>> -> memref<1x64xf32, #tpu.memory_space<hbm>>
        tpu.wait_dma2 semaphore(%arg7 : memref<!tpu.dma_semaphore, #tpu.memory_space<semaphore_mem>>) src(%dma_wait3A_1301 : memref<1x64xf32, #tpu.memory_space<hbm>>) dst(%dma_wait3A_1294 : memref<1x64xf32, #tpu.memory_space<vmem>>)
        %sub3A_1302 = arith.constant 2 : i32
        %sub3A_1303 = arith.subi %scan3A_681, %sub3A_1302 : i32
        %mul3A_1304 = arith.constant 16 : i32
        %mul3A_1305 = arith.muli %sub3A_1303, %mul3A_1304 : i32
        %add3A_1306 = arith.constant 11 : i32
        %add3A_1307 = arith.addi %mul3A_1305, %add3A_1306 : i32
        %dma_wait3A_1308 = arith.constant 0 : i32
        %dma_wait3A_1309 = tpu.memref_slice %arg6[%add3A_1307, %dma_wait3A_1308] : memref<512x64xf32, #tpu.memory_space<vmem>> -> memref<1x64xf32, #tpu.memory_space<vmem>>
        %dma_wait3A_1310 = arith.constant 0 : i32
        %dma_wait3A_1311 = arith.constant 0 : i32
        %dma_wait3A_1312 = tpu.memref_slice %arg2[%scan3A, %dma_wait3A_1310, %dma_wait3A_1311] : memref<1x1000000x64xf32, #tpu.memory_space<hbm>> -> memref<1x1000000x64xf32, #tpu.memory_space<hbm>>
        %dma_wait3A_1313 = tpu.memref_squeeze %dma_wait3A_1312 : memref<1x1000000x64xf32, #tpu.memory_space<hbm>> -> memref<1000000x64xf32, #tpu.memory_space<hbm>>
        %dma_wait3A_1314 = arith.constant 0 : i32
        %dma_wait3A_1315 = arith.constant 0 : i32
        %dma_wait3A_1316 = tpu.memref_slice %dma_wait3A_1313[%dma_wait3A_1314, %dma_wait3A_1315] : memref<1000000x64xf32, #tpu.memory_space<hbm>> -> memref<1x64xf32, #tpu.memory_space<hbm>>
        %dma_wait3A_1317 = arith.constant 0 : i32
        %dma_wait3A_1318 = tpu.memref_slice %arg6[%add3A_1307, %dma_wait3A_1317] : memref<512x64xf32, #tpu.memory_space<vmem>> -> memref<1x64xf32, #tpu.memory_space<vmem>>
        %dma_wait3A_1319 = arith.constant 0 : i32
        %dma_wait3A_1320 = arith.constant 0 : i32
        %dma_wait3A_1321 = tpu.memref_slice %arg2[%scan3A, %dma_wait3A_1319, %dma_wait3A_1320] : memref<1x1000000x64xf32, #tpu.memory_space<hbm>> -> memref<1x1000000x64xf32, #tpu.memory_space<hbm>>
        %dma_wait3A_1322 = tpu.memref_squeeze %dma_wait3A_1321 : memref<1x1000000x64xf32, #tpu.memory_space<hbm>> -> memref<1000000x64xf32, #tpu.memory_space<hbm>>
        %dma_wait3A_1323 = arith.constant 0 : i32
        %dma_wait3A_1324 = arith.constant 0 : i32
        %dma_wait3A_1325 = tpu.memref_slice %dma_wait3A_1322[%dma_wait3A_1323, %dma_wait3A_1324] : memref<1000000x64xf32, #tpu.memory_space<hbm>> -> memref<1x64xf32, #tpu.memory_space<hbm>>
        tpu.wait_dma2 semaphore(%arg7 : memref<!tpu.dma_semaphore, #tpu.memory_space<semaphore_mem>>) src(%dma_wait3A_1325 : memref<1x64xf32, #tpu.memory_space<hbm>>) dst(%dma_wait3A_1318 : memref<1x64xf32, #tpu.memory_space<vmem>>)
        %sub3A_1326 = arith.constant 2 : i32
        %sub3A_1327 = arith.subi %scan3A_681, %sub3A_1326 : i32
        %mul3A_1328 = arith.constant 16 : i32
        %mul3A_1329 = arith.muli %sub3A_1327, %mul3A_1328 : i32
        %add3A_1330 = arith.constant 12 : i32
        %add3A_1331 = arith.addi %mul3A_1329, %add3A_1330 : i32
        %dma_wait3A_1332 = arith.constant 0 : i32
        %dma_wait3A_1333 = tpu.memref_slice %arg6[%add3A_1331, %dma_wait3A_1332] : memref<512x64xf32, #tpu.memory_space<vmem>> -> memref<1x64xf32, #tpu.memory_space<vmem>>
        %dma_wait3A_1334 = arith.constant 0 : i32
        %dma_wait3A_1335 = arith.constant 0 : i32
        %dma_wait3A_1336 = tpu.memref_slice %arg2[%scan3A, %dma_wait3A_1334, %dma_wait3A_1335] : memref<1x1000000x64xf32, #tpu.memory_space<hbm>> -> memref<1x1000000x64xf32, #tpu.memory_space<hbm>>
        %dma_wait3A_1337 = tpu.memref_squeeze %dma_wait3A_1336 : memref<1x1000000x64xf32, #tpu.memory_space<hbm>> -> memref<1000000x64xf32, #tpu.memory_space<hbm>>
        %dma_wait3A_1338 = arith.constant 0 : i32
        %dma_wait3A_1339 = arith.constant 0 : i32
        %dma_wait3A_1340 = tpu.memref_slice %dma_wait3A_1337[%dma_wait3A_1338, %dma_wait3A_1339] : memref<1000000x64xf32, #tpu.memory_space<hbm>> -> memref<1x64xf32, #tpu.memory_space<hbm>>
        %dma_wait3A_1341 = arith.constant 0 : i32
        %dma_wait3A_1342 = tpu.memref_slice %arg6[%add3A_1331, %dma_wait3A_1341] : memref<512x64xf32, #tpu.memory_space<vmem>> -> memref<1x64xf32, #tpu.memory_space<vmem>>
        %dma_wait3A_1343 = arith.constant 0 : i32
        %dma_wait3A_1344 = arith.constant 0 : i32
        %dma_wait3A_1345 = tpu.memref_slice %arg2[%scan3A, %dma_wait3A_1343, %dma_wait3A_1344] : memref<1x1000000x64xf32, #tpu.memory_space<hbm>> -> memref<1x1000000x64xf32, #tpu.memory_space<hbm>>
        %dma_wait3A_1346 = tpu.memref_squeeze %dma_wait3A_1345 : memref<1x1000000x64xf32, #tpu.memory_space<hbm>> -> memref<1000000x64xf32, #tpu.memory_space<hbm>>
        %dma_wait3A_1347 = arith.constant 0 : i32
        %dma_wait3A_1348 = arith.constant 0 : i32
        %dma_wait3A_1349 = tpu.memref_slice %dma_wait3A_1346[%dma_wait3A_1347, %dma_wait3A_1348] : memref<1000000x64xf32, #tpu.memory_space<hbm>> -> memref<1x64xf32, #tpu.memory_space<hbm>>
        tpu.wait_dma2 semaphore(%arg7 : memref<!tpu.dma_semaphore, #tpu.memory_space<semaphore_mem>>) src(%dma_wait3A_1349 : memref<1x64xf32, #tpu.memory_space<hbm>>) dst(%dma_wait3A_1342 : memref<1x64xf32, #tpu.memory_space<vmem>>)
        %sub3A_1350 = arith.constant 2 : i32
        %sub3A_1351 = arith.subi %scan3A_681, %sub3A_1350 : i32
        %mul3A_1352 = arith.constant 16 : i32
        %mul3A_1353 = arith.muli %sub3A_1351, %mul3A_1352 : i32
        %add3A_1354 = arith.constant 13 : i32
        %add3A_1355 = arith.addi %mul3A_1353, %add3A_1354 : i32
        %dma_wait3A_1356 = arith.constant 0 : i32
        %dma_wait3A_1357 = tpu.memref_slice %arg6[%add3A_1355, %dma_wait3A_1356] : memref<512x64xf32, #tpu.memory_space<vmem>> -> memref<1x64xf32, #tpu.memory_space<vmem>>
        %dma_wait3A_1358 = arith.constant 0 : i32
        %dma_wait3A_1359 = arith.constant 0 : i32
        %dma_wait3A_1360 = tpu.memref_slice %arg2[%scan3A, %dma_wait3A_1358, %dma_wait3A_1359] : memref<1x1000000x64xf32, #tpu.memory_space<hbm>> -> memref<1x1000000x64xf32, #tpu.memory_space<hbm>>
        %dma_wait3A_1361 = tpu.memref_squeeze %dma_wait3A_1360 : memref<1x1000000x64xf32, #tpu.memory_space<hbm>> -> memref<1000000x64xf32, #tpu.memory_space<hbm>>
        %dma_wait3A_1362 = arith.constant 0 : i32
        %dma_wait3A_1363 = arith.constant 0 : i32
        %dma_wait3A_1364 = tpu.memref_slice %dma_wait3A_1361[%dma_wait3A_1362, %dma_wait3A_1363] : memref<1000000x64xf32, #tpu.memory_space<hbm>> -> memref<1x64xf32, #tpu.memory_space<hbm>>
        %dma_wait3A_1365 = arith.constant 0 : i32
        %dma_wait3A_1366 = tpu.memref_slice %arg6[%add3A_1355, %dma_wait3A_1365] : memref<512x64xf32, #tpu.memory_space<vmem>> -> memref<1x64xf32, #tpu.memory_space<vmem>>
        %dma_wait3A_1367 = arith.constant 0 : i32
        %dma_wait3A_1368 = arith.constant 0 : i32
        %dma_wait3A_1369 = tpu.memref_slice %arg2[%scan3A, %dma_wait3A_1367, %dma_wait3A_1368] : memref<1x1000000x64xf32, #tpu.memory_space<hbm>> -> memref<1x1000000x64xf32, #tpu.memory_space<hbm>>
        %dma_wait3A_1370 = tpu.memref_squeeze %dma_wait3A_1369 : memref<1x1000000x64xf32, #tpu.memory_space<hbm>> -> memref<1000000x64xf32, #tpu.memory_space<hbm>>
        %dma_wait3A_1371 = arith.constant 0 : i32
        %dma_wait3A_1372 = arith.constant 0 : i32
        %dma_wait3A_1373 = tpu.memref_slice %dma_wait3A_1370[%dma_wait3A_1371, %dma_wait3A_1372] : memref<1000000x64xf32, #tpu.memory_space<hbm>> -> memref<1x64xf32, #tpu.memory_space<hbm>>
        tpu.wait_dma2 semaphore(%arg7 : memref<!tpu.dma_semaphore, #tpu.memory_space<semaphore_mem>>) src(%dma_wait3A_1373 : memref<1x64xf32, #tpu.memory_space<hbm>>) dst(%dma_wait3A_1366 : memref<1x64xf32, #tpu.memory_space<vmem>>)
        %sub3A_1374 = arith.constant 2 : i32
        %sub3A_1375 = arith.subi %scan3A_681, %sub3A_1374 : i32
        %mul3A_1376 = arith.constant 16 : i32
        %mul3A_1377 = arith.muli %sub3A_1375, %mul3A_1376 : i32
        %add3A_1378 = arith.constant 14 : i32
        %add3A_1379 = arith.addi %mul3A_1377, %add3A_1378 : i32
        %dma_wait3A_1380 = arith.constant 0 : i32
        %dma_wait3A_1381 = tpu.memref_slice %arg6[%add3A_1379, %dma_wait3A_1380] : memref<512x64xf32, #tpu.memory_space<vmem>> -> memref<1x64xf32, #tpu.memory_space<vmem>>
        %dma_wait3A_1382 = arith.constant 0 : i32
        %dma_wait3A_1383 = arith.constant 0 : i32
        %dma_wait3A_1384 = tpu.memref_slice %arg2[%scan3A, %dma_wait3A_1382, %dma_wait3A_1383] : memref<1x1000000x64xf32, #tpu.memory_space<hbm>> -> memref<1x1000000x64xf32, #tpu.memory_space<hbm>>
        %dma_wait3A_1385 = tpu.memref_squeeze %dma_wait3A_1384 : memref<1x1000000x64xf32, #tpu.memory_space<hbm>> -> memref<1000000x64xf32, #tpu.memory_space<hbm>>
        %dma_wait3A_1386 = arith.constant 0 : i32
        %dma_wait3A_1387 = arith.constant 0 : i32
        %dma_wait3A_1388 = tpu.memref_slice %dma_wait3A_1385[%dma_wait3A_1386, %dma_wait3A_1387] : memref<1000000x64xf32, #tpu.memory_space<hbm>> -> memref<1x64xf32, #tpu.memory_space<hbm>>
        %dma_wait3A_1389 = arith.constant 0 : i32
        %dma_wait3A_1390 = tpu.memref_slice %arg6[%add3A_1379, %dma_wait3A_1389] : memref<512x64xf32, #tpu.memory_space<vmem>> -> memref<1x64xf32, #tpu.memory_space<vmem>>
        %dma_wait3A_1391 = arith.constant 0 : i32
        %dma_wait3A_1392 = arith.constant 0 : i32
        %dma_wait3A_1393 = tpu.memref_slice %arg2[%scan3A, %dma_wait3A_1391, %dma_wait3A_1392] : memref<1x1000000x64xf32, #tpu.memory_space<hbm>> -> memref<1x1000000x64xf32, #tpu.memory_space<hbm>>
        %dma_wait3A_1394 = tpu.memref_squeeze %dma_wait3A_1393 : memref<1x1000000x64xf32, #tpu.memory_space<hbm>> -> memref<1000000x64xf32, #tpu.memory_space<hbm>>
        %dma_wait3A_1395 = arith.constant 0 : i32
        %dma_wait3A_1396 = arith.constant 0 : i32
        %dma_wait3A_1397 = tpu.memref_slice %dma_wait3A_1394[%dma_wait3A_1395, %dma_wait3A_1396] : memref<1000000x64xf32, #tpu.memory_space<hbm>> -> memref<1x64xf32, #tpu.memory_space<hbm>>
        tpu.wait_dma2 semaphore(%arg7 : memref<!tpu.dma_semaphore, #tpu.memory_space<semaphore_mem>>) src(%dma_wait3A_1397 : memref<1x64xf32, #tpu.memory_space<hbm>>) dst(%dma_wait3A_1390 : memref<1x64xf32, #tpu.memory_space<vmem>>)
        %sub3A_1398 = arith.constant 2 : i32
        %sub3A_1399 = arith.subi %scan3A_681, %sub3A_1398 : i32
        %mul3A_1400 = arith.constant 16 : i32
        %mul3A_1401 = arith.muli %sub3A_1399, %mul3A_1400 : i32
        %add3A_1402 = arith.constant 15 : i32
        %add3A_1403 = arith.addi %mul3A_1401, %add3A_1402 : i32
        %dma_wait3A_1404 = arith.constant 0 : i32
        %dma_wait3A_1405 = tpu.memref_slice %arg6[%add3A_1403, %dma_wait3A_1404] : memref<512x64xf32, #tpu.memory_space<vmem>> -> memref<1x64xf32, #tpu.memory_space<vmem>>
        %dma_wait3A_1406 = arith.constant 0 : i32
        %dma_wait3A_1407 = arith.constant 0 : i32
        %dma_wait3A_1408 = tpu.memref_slice %arg2[%scan3A, %dma_wait3A_1406, %dma_wait3A_1407] : memref<1x1000000x64xf32, #tpu.memory_space<hbm>> -> memref<1x1000000x64xf32, #tpu.memory_space<hbm>>
        %dma_wait3A_1409 = tpu.memref_squeeze %dma_wait3A_1408 : memref<1x1000000x64xf32, #tpu.memory_space<hbm>> -> memref<1000000x64xf32, #tpu.memory_space<hbm>>
        %dma_wait3A_1410 = arith.constant 0 : i32
        %dma_wait3A_1411 = arith.constant 0 : i32
        %dma_wait3A_1412 = tpu.memref_slice %dma_wait3A_1409[%dma_wait3A_1410, %dma_wait3A_1411] : memref<1000000x64xf32, #tpu.memory_space<hbm>> -> memref<1x64xf32, #tpu.memory_space<hbm>>
        %dma_wait3A_1413 = arith.constant 0 : i32
        %dma_wait3A_1414 = tpu.memref_slice %arg6[%add3A_1403, %dma_wait3A_1413] : memref<512x64xf32, #tpu.memory_space<vmem>> -> memref<1x64xf32, #tpu.memory_space<vmem>>
        %dma_wait3A_1415 = arith.constant 0 : i32
        %dma_wait3A_1416 = arith.constant 0 : i32
        %dma_wait3A_1417 = tpu.memref_slice %arg2[%scan3A, %dma_wait3A_1415, %dma_wait3A_1416] : memref<1x1000000x64xf32, #tpu.memory_space<hbm>> -> memref<1x1000000x64xf32, #tpu.memory_space<hbm>>
        %dma_wait3A_1418 = tpu.memref_squeeze %dma_wait3A_1417 : memref<1x1000000x64xf32, #tpu.memory_space<hbm>> -> memref<1000000x64xf32, #tpu.memory_space<hbm>>
        %dma_wait3A_1419 = arith.constant 0 : i32
        %dma_wait3A_1420 = arith.constant 0 : i32
        %dma_wait3A_1421 = tpu.memref_slice %dma_wait3A_1418[%dma_wait3A_1419, %dma_wait3A_1420] : memref<1000000x64xf32, #tpu.memory_space<hbm>> -> memref<1x64xf32, #tpu.memory_space<hbm>>
        tpu.wait_dma2 semaphore(%arg7 : memref<!tpu.dma_semaphore, #tpu.memory_space<semaphore_mem>>) src(%dma_wait3A_1421 : memref<1x64xf32, #tpu.memory_space<hbm>>) dst(%dma_wait3A_1414 : memref<1x64xf32, #tpu.memory_space<vmem>>)
      } else {
      }
      %scan3A_1038 = arith.constant 0 : i32
      scf.yield %scan3A_1038 : i32
    }
    %scan3A_9 = arith.constant 32 : i32
    %dma_wait3A = arith.constant 0 : i32
    %dma_wait3A_10 = arith.constant 480 : i32
    %dma_wait3A_11 = arith.constant 0 : i32
    %dma_wait3A_12 = tpu.memref_slice %arg6[%dma_wait3A_10, %dma_wait3A_11] : memref<512x64xf32, #tpu.memory_space<vmem>> -> memref<1x64xf32, #tpu.memory_space<vmem>>
    %dma_wait3A_13 = arith.constant 0 : i32
    %dma_wait3A_14 = arith.constant 0 : i32
    %dma_wait3A_15 = tpu.memref_slice %arg2[%dma_wait3A, %dma_wait3A_13, %dma_wait3A_14] : memref<1x1000000x64xf32, #tpu.memory_space<hbm>> -> memref<1x1000000x64xf32, #tpu.memory_space<hbm>>
    %dma_wait3A_16 = tpu.memref_squeeze %dma_wait3A_15 : memref<1x1000000x64xf32, #tpu.memory_space<hbm>> -> memref<1000000x64xf32, #tpu.memory_space<hbm>>
    %dma_wait3A_17 = arith.constant 0 : i32
    %dma_wait3A_18 = arith.constant 0 : i32
    %dma_wait3A_19 = tpu.memref_slice %dma_wait3A_16[%dma_wait3A_17, %dma_wait3A_18] : memref<1000000x64xf32, #tpu.memory_space<hbm>> -> memref<1x64xf32, #tpu.memory_space<hbm>>
    %dma_wait3A_20 = arith.constant 480 : i32
    %dma_wait3A_21 = arith.constant 0 : i32
    %dma_wait3A_22 = tpu.memref_slice %arg6[%dma_wait3A_20, %dma_wait3A_21] : memref<512x64xf32, #tpu.memory_space<vmem>> -> memref<1x64xf32, #tpu.memory_space<vmem>>
    %dma_wait3A_23 = arith.constant 0 : i32
    %dma_wait3A_24 = arith.constant 0 : i32
    %dma_wait3A_25 = tpu.memref_slice %arg2[%dma_wait3A, %dma_wait3A_23, %dma_wait3A_24] : memref<1x1000000x64xf32, #tpu.memory_space<hbm>> -> memref<1x1000000x64xf32, #tpu.memory_space<hbm>>
    %dma_wait3A_26 = tpu.memref_squeeze %dma_wait3A_25 : memref<1x1000000x64xf32, #tpu.memory_space<hbm>> -> memref<1000000x64xf32, #tpu.memory_space<hbm>>
    %dma_wait3A_27 = arith.constant 0 : i32
    %dma_wait3A_28 = arith.constant 0 : i32
    %dma_wait3A_29 = tpu.memref_slice %dma_wait3A_26[%dma_wait3A_27, %dma_wait3A_28] : memref<1000000x64xf32, #tpu.memory_space<hbm>> -> memref<1x64xf32, #tpu.memory_space<hbm>>
    tpu.wait_dma2 semaphore(%arg7 : memref<!tpu.dma_semaphore, #tpu.memory_space<semaphore_mem>>) src(%dma_wait3A_29 : memref<1x64xf32, #tpu.memory_space<hbm>>) dst(%dma_wait3A_22 : memref<1x64xf32, #tpu.memory_space<vmem>>)
    %dma_wait3A_30 = arith.constant 0 : i32
    %dma_wait3A_31 = arith.constant 481 : i32
    %dma_wait3A_32 = arith.constant 0 : i32
    %dma_wait3A_33 = tpu.memref_slice %arg6[%dma_wait3A_31, %dma_wait3A_32] : memref<512x64xf32, #tpu.memory_space<vmem>> -> memref<1x64xf32, #tpu.memory_space<vmem>>
    %dma_wait3A_34 = arith.constant 0 : i32
    %dma_wait3A_35 = arith.constant 0 : i32
    %dma_wait3A_36 = tpu.memref_slice %arg2[%dma_wait3A_30, %dma_wait3A_34, %dma_wait3A_35] : memref<1x1000000x64xf32, #tpu.memory_space<hbm>> -> memref<1x1000000x64xf32, #tpu.memory_space<hbm>>
    %dma_wait3A_37 = tpu.memref_squeeze %dma_wait3A_36 : memref<1x1000000x64xf32, #tpu.memory_space<hbm>> -> memref<1000000x64xf32, #tpu.memory_space<hbm>>
    %dma_wait3A_38 = arith.constant 0 : i32
    %dma_wait3A_39 = arith.constant 0 : i32
    %dma_wait3A_40 = tpu.memref_slice %dma_wait3A_37[%dma_wait3A_38, %dma_wait3A_39] : memref<1000000x64xf32, #tpu.memory_space<hbm>> -> memref<1x64xf32, #tpu.memory_space<hbm>>
    %dma_wait3A_41 = arith.constant 481 : i32
    %dma_wait3A_42 = arith.constant 0 : i32
    %dma_wait3A_43 = tpu.memref_slice %arg6[%dma_wait3A_41, %dma_wait3A_42] : memref<512x64xf32, #tpu.memory_space<vmem>> -> memref<1x64xf32, #tpu.memory_space<vmem>>
    %dma_wait3A_44 = arith.constant 0 : i32
    %dma_wait3A_45 = arith.constant 0 : i32
    %dma_wait3A_46 = tpu.memref_slice %arg2[%dma_wait3A_30, %dma_wait3A_44, %dma_wait3A_45] : memref<1x1000000x64xf32, #tpu.memory_space<hbm>> -> memref<1x1000000x64xf32, #tpu.memory_space<hbm>>
    %dma_wait3A_47 = tpu.memref_squeeze %dma_wait3A_46 : memref<1x1000000x64xf32, #tpu.memory_space<hbm>> -> memref<1000000x64xf32, #tpu.memory_space<hbm>>
    %dma_wait3A_48 = arith.constant 0 : i32
    %dma_wait3A_49 = arith.constant 0 : i32
    %dma_wait3A_50 = tpu.memref_slice %dma_wait3A_47[%dma_wait3A_48, %dma_wait3A_49] : memref<1000000x64xf32, #tpu.memory_space<hbm>> -> memref<1x64xf32, #tpu.memory_space<hbm>>
    tpu.wait_dma2 semaphore(%arg7 : memref<!tpu.dma_semaphore, #tpu.memory_space<semaphore_mem>>) src(%dma_wait3A_50 : memref<1x64xf32, #tpu.memory_space<hbm>>) dst(%dma_wait3A_43 : memref<1x64xf32, #tpu.memory_space<vmem>>)
    %dma_wait3A_51 = arith.constant 0 : i32
    %dma_wait3A_52 = arith.constant 482 : i32
    %dma_wait3A_53 = arith.constant 0 : i32
    %dma_wait3A_54 = tpu.memref_slice %arg6[%dma_wait3A_52, %dma_wait3A_53] : memref<512x64xf32, #tpu.memory_space<vmem>> -> memref<1x64xf32, #tpu.memory_space<vmem>>
    %dma_wait3A_55 = arith.constant 0 : i32
    %dma_wait3A_56 = arith.constant 0 : i32
    %dma_wait3A_57 = tpu.memref_slice %arg2[%dma_wait3A_51, %dma_wait3A_55, %dma_wait3A_56] : memref<1x1000000x64xf32, #tpu.memory_space<hbm>> -> memref<1x1000000x64xf32, #tpu.memory_space<hbm>>
    %dma_wait3A_58 = tpu.memref_squeeze %dma_wait3A_57 : memref<1x1000000x64xf32, #tpu.memory_space<hbm>> -> memref<1000000x64xf32, #tpu.memory_space<hbm>>
    %dma_wait3A_59 = arith.constant 0 : i32
    %dma_wait3A_60 = arith.constant 0 : i32
    %dma_wait3A_61 = tpu.memref_slice %dma_wait3A_58[%dma_wait3A_59, %dma_wait3A_60] : memref<1000000x64xf32, #tpu.memory_space<hbm>> -> memref<1x64xf32, #tpu.memory_space<hbm>>
    %dma_wait3A_62 = arith.constant 482 : i32
    %dma_wait3A_63 = arith.constant 0 : i32
    %dma_wait3A_64 = tpu.memref_slice %arg6[%dma_wait3A_62, %dma_wait3A_63] : memref<512x64xf32, #tpu.memory_space<vmem>> -> memref<1x64xf32, #tpu.memory_space<vmem>>
    %dma_wait3A_65 = arith.constant 0 : i32
    %dma_wait3A_66 = arith.constant 0 : i32
    %dma_wait3A_67 = tpu.memref_slice %arg2[%dma_wait3A_51, %dma_wait3A_65, %dma_wait3A_66] : memref<1x1000000x64xf32, #tpu.memory_space<hbm>> -> memref<1x1000000x64xf32, #tpu.memory_space<hbm>>
    %dma_wait3A_68 = tpu.memref_squeeze %dma_wait3A_67 : memref<1x1000000x64xf32, #tpu.memory_space<hbm>> -> memref<1000000x64xf32, #tpu.memory_space<hbm>>
    %dma_wait3A_69 = arith.constant 0 : i32
    %dma_wait3A_70 = arith.constant 0 : i32
    %dma_wait3A_71 = tpu.memref_slice %dma_wait3A_68[%dma_wait3A_69, %dma_wait3A_70] : memref<1000000x64xf32, #tpu.memory_space<hbm>> -> memref<1x64xf32, #tpu.memory_space<hbm>>
    tpu.wait_dma2 semaphore(%arg7 : memref<!tpu.dma_semaphore, #tpu.memory_space<semaphore_mem>>) src(%dma_wait3A_71 : memref<1x64xf32, #tpu.memory_space<hbm>>) dst(%dma_wait3A_64 : memref<1x64xf32, #tpu.memory_space<vmem>>)
    %dma_wait3A_72 = arith.constant 0 : i32
    %dma_wait3A_73 = arith.constant 483 : i32
    %dma_wait3A_74 = arith.constant 0 : i32
    %dma_wait3A_75 = tpu.memref_slice %arg6[%dma_wait3A_73, %dma_wait3A_74] : memref<512x64xf32, #tpu.memory_space<vmem>> -> memref<1x64xf32, #tpu.memory_space<vmem>>
    %dma_wait3A_76 = arith.constant 0 : i32
    %dma_wait3A_77 = arith.constant 0 : i32
    %dma_wait3A_78 = tpu.memref_slice %arg2[%dma_wait3A_72, %dma_wait3A_76, %dma_wait3A_77] : memref<1x1000000x64xf32, #tpu.memory_space<hbm>> -> memref<1x1000000x64xf32, #tpu.memory_space<hbm>>
    %dma_wait3A_79 = tpu.memref_squeeze %dma_wait3A_78 : memref<1x1000000x64xf32, #tpu.memory_space<hbm>> -> memref<1000000x64xf32, #tpu.memory_space<hbm>>
    %dma_wait3A_80 = arith.constant 0 : i32
    %dma_wait3A_81 = arith.constant 0 : i32
    %dma_wait3A_82 = tpu.memref_slice %dma_wait3A_79[%dma_wait3A_80, %dma_wait3A_81] : memref<1000000x64xf32, #tpu.memory_space<hbm>> -> memref<1x64xf32, #tpu.memory_space<hbm>>
    %dma_wait3A_83 = arith.constant 483 : i32
    %dma_wait3A_84 = arith.constant 0 : i32
    %dma_wait3A_85 = tpu.memref_slice %arg6[%dma_wait3A_83, %dma_wait3A_84] : memref<512x64xf32, #tpu.memory_space<vmem>> -> memref<1x64xf32, #tpu.memory_space<vmem>>
    %dma_wait3A_86 = arith.constant 0 : i32
    %dma_wait3A_87 = arith.constant 0 : i32
    %dma_wait3A_88 = tpu.memref_slice %arg2[%dma_wait3A_72, %dma_wait3A_86, %dma_wait3A_87] : memref<1x1000000x64xf32, #tpu.memory_space<hbm>> -> memref<1x1000000x64xf32, #tpu.memory_space<hbm>>
    %dma_wait3A_89 = tpu.memref_squeeze %dma_wait3A_88 : memref<1x1000000x64xf32, #tpu.memory_space<hbm>> -> memref<1000000x64xf32, #tpu.memory_space<hbm>>
    %dma_wait3A_90 = arith.constant 0 : i32
    %dma_wait3A_91 = arith.constant 0 : i32
    %dma_wait3A_92 = tpu.memref_slice %dma_wait3A_89[%dma_wait3A_90, %dma_wait3A_91] : memref<1000000x64xf32, #tpu.memory_space<hbm>> -> memref<1x64xf32, #tpu.memory_space<hbm>>
    tpu.wait_dma2 semaphore(%arg7 : memref<!tpu.dma_semaphore, #tpu.memory_space<semaphore_mem>>) src(%dma_wait3A_92 : memref<1x64xf32, #tpu.memory_space<hbm>>) dst(%dma_wait3A_85 : memref<1x64xf32, #tpu.memory_space<vmem>>)
    %dma_wait3A_93 = arith.constant 0 : i32
    %dma_wait3A_94 = arith.constant 484 : i32
    %dma_wait3A_95 = arith.constant 0 : i32
    %dma_wait3A_96 = tpu.memref_slice %arg6[%dma_wait3A_94, %dma_wait3A_95] : memref<512x64xf32, #tpu.memory_space<vmem>> -> memref<1x64xf32, #tpu.memory_space<vmem>>
    %dma_wait3A_97 = arith.constant 0 : i32
    %dma_wait3A_98 = arith.constant 0 : i32
    %dma_wait3A_99 = tpu.memref_slice %arg2[%dma_wait3A_93, %dma_wait3A_97, %dma_wait3A_98] : memref<1x1000000x64xf32, #tpu.memory_space<hbm>> -> memref<1x1000000x64xf32, #tpu.memory_space<hbm>>
    %dma_wait3A_100 = tpu.memref_squeeze %dma_wait3A_99 : memref<1x1000000x64xf32, #tpu.memory_space<hbm>> -> memref<1000000x64xf32, #tpu.memory_space<hbm>>
    %dma_wait3A_101 = arith.constant 0 : i32
    %dma_wait3A_102 = arith.constant 0 : i32
    %dma_wait3A_103 = tpu.memref_slice %dma_wait3A_100[%dma_wait3A_101, %dma_wait3A_102] : memref<1000000x64xf32, #tpu.memory_space<hbm>> -> memref<1x64xf32, #tpu.memory_space<hbm>>
    %dma_wait3A_104 = arith.constant 484 : i32
    %dma_wait3A_105 = arith.constant 0 : i32
    %dma_wait3A_106 = tpu.memref_slice %arg6[%dma_wait3A_104, %dma_wait3A_105] : memref<512x64xf32, #tpu.memory_space<vmem>> -> memref<1x64xf32, #tpu.memory_space<vmem>>
    %dma_wait3A_107 = arith.constant 0 : i32
    %dma_wait3A_108 = arith.constant 0 : i32
    %dma_wait3A_109 = tpu.memref_slice %arg2[%dma_wait3A_93, %dma_wait3A_107, %dma_wait3A_108] : memref<1x1000000x64xf32, #tpu.memory_space<hbm>> -> memref<1x1000000x64xf32, #tpu.memory_space<hbm>>
    %dma_wait3A_110 = tpu.memref_squeeze %dma_wait3A_109 : memref<1x1000000x64xf32, #tpu.memory_space<hbm>> -> memref<1000000x64xf32, #tpu.memory_space<hbm>>
    %dma_wait3A_111 = arith.constant 0 : i32
    %dma_wait3A_112 = arith.constant 0 : i32
    %dma_wait3A_113 = tpu.memref_slice %dma_wait3A_110[%dma_wait3A_111, %dma_wait3A_112] : memref<1000000x64xf32, #tpu.memory_space<hbm>> -> memref<1x64xf32, #tpu.memory_space<hbm>>
    tpu.wait_dma2 semaphore(%arg7 : memref<!tpu.dma_semaphore, #tpu.memory_space<semaphore_mem>>) src(%dma_wait3A_113 : memref<1x64xf32, #tpu.memory_space<hbm>>) dst(%dma_wait3A_106 : memref<1x64xf32, #tpu.memory_space<vmem>>)
    %dma_wait3A_114 = arith.constant 0 : i32
    %dma_wait3A_115 = arith.constant 485 : i32
    %dma_wait3A_116 = arith.constant 0 : i32
    %dma_wait3A_117 = tpu.memref_slice %arg6[%dma_wait3A_115, %dma_wait3A_116] : memref<512x64xf32, #tpu.memory_space<vmem>> -> memref<1x64xf32, #tpu.memory_space<vmem>>
    %dma_wait3A_118 = arith.constant 0 : i32
    %dma_wait3A_119 = arith.constant 0 : i32
    %dma_wait3A_120 = tpu.memref_slice %arg2[%dma_wait3A_114, %dma_wait3A_118, %dma_wait3A_119] : memref<1x1000000x64xf32, #tpu.memory_space<hbm>> -> memref<1x1000000x64xf32, #tpu.memory_space<hbm>>
    %dma_wait3A_121 = tpu.memref_squeeze %dma_wait3A_120 : memref<1x1000000x64xf32, #tpu.memory_space<hbm>> -> memref<1000000x64xf32, #tpu.memory_space<hbm>>
    %dma_wait3A_122 = arith.constant 0 : i32
    %dma_wait3A_123 = arith.constant 0 : i32
    %dma_wait3A_124 = tpu.memref_slice %dma_wait3A_121[%dma_wait3A_122, %dma_wait3A_123] : memref<1000000x64xf32, #tpu.memory_space<hbm>> -> memref<1x64xf32, #tpu.memory_space<hbm>>
    %dma_wait3A_125 = arith.constant 485 : i32
    %dma_wait3A_126 = arith.constant 0 : i32
    %dma_wait3A_127 = tpu.memref_slice %arg6[%dma_wait3A_125, %dma_wait3A_126] : memref<512x64xf32, #tpu.memory_space<vmem>> -> memref<1x64xf32, #tpu.memory_space<vmem>>
    %dma_wait3A_128 = arith.constant 0 : i32
    %dma_wait3A_129 = arith.constant 0 : i32
    %dma_wait3A_130 = tpu.memref_slice %arg2[%dma_wait3A_114, %dma_wait3A_128, %dma_wait3A_129] : memref<1x1000000x64xf32, #tpu.memory_space<hbm>> -> memref<1x1000000x64xf32, #tpu.memory_space<hbm>>
    %dma_wait3A_131 = tpu.memref_squeeze %dma_wait3A_130 : memref<1x1000000x64xf32, #tpu.memory_space<hbm>> -> memref<1000000x64xf32, #tpu.memory_space<hbm>>
    %dma_wait3A_132 = arith.constant 0 : i32
    %dma_wait3A_133 = arith.constant 0 : i32
    %dma_wait3A_134 = tpu.memref_slice %dma_wait3A_131[%dma_wait3A_132, %dma_wait3A_133] : memref<1000000x64xf32, #tpu.memory_space<hbm>> -> memref<1x64xf32, #tpu.memory_space<hbm>>
    tpu.wait_dma2 semaphore(%arg7 : memref<!tpu.dma_semaphore, #tpu.memory_space<semaphore_mem>>) src(%dma_wait3A_134 : memref<1x64xf32, #tpu.memory_space<hbm>>) dst(%dma_wait3A_127 : memref<1x64xf32, #tpu.memory_space<vmem>>)
    %dma_wait3A_135 = arith.constant 0 : i32
    %dma_wait3A_136 = arith.constant 486 : i32
    %dma_wait3A_137 = arith.constant 0 : i32
    %dma_wait3A_138 = tpu.memref_slice %arg6[%dma_wait3A_136, %dma_wait3A_137] : memref<512x64xf32, #tpu.memory_space<vmem>> -> memref<1x64xf32, #tpu.memory_space<vmem>>
    %dma_wait3A_139 = arith.constant 0 : i32
    %dma_wait3A_140 = arith.constant 0 : i32
    %dma_wait3A_141 = tpu.memref_slice %arg2[%dma_wait3A_135, %dma_wait3A_139, %dma_wait3A_140] : memref<1x1000000x64xf32, #tpu.memory_space<hbm>> -> memref<1x1000000x64xf32, #tpu.memory_space<hbm>>
    %dma_wait3A_142 = tpu.memref_squeeze %dma_wait3A_141 : memref<1x1000000x64xf32, #tpu.memory_space<hbm>> -> memref<1000000x64xf32, #tpu.memory_space<hbm>>
    %dma_wait3A_143 = arith.constant 0 : i32
    %dma_wait3A_144 = arith.constant 0 : i32
    %dma_wait3A_145 = tpu.memref_slice %dma_wait3A_142[%dma_wait3A_143, %dma_wait3A_144] : memref<1000000x64xf32, #tpu.memory_space<hbm>> -> memref<1x64xf32, #tpu.memory_space<hbm>>
    %dma_wait3A_146 = arith.constant 486 : i32
    %dma_wait3A_147 = arith.constant 0 : i32
    %dma_wait3A_148 = tpu.memref_slice %arg6[%dma_wait3A_146, %dma_wait3A_147] : memref<512x64xf32, #tpu.memory_space<vmem>> -> memref<1x64xf32, #tpu.memory_space<vmem>>
    %dma_wait3A_149 = arith.constant 0 : i32
    %dma_wait3A_150 = arith.constant 0 : i32
    %dma_wait3A_151 = tpu.memref_slice %arg2[%dma_wait3A_135, %dma_wait3A_149, %dma_wait3A_150] : memref<1x1000000x64xf32, #tpu.memory_space<hbm>> -> memref<1x1000000x64xf32, #tpu.memory_space<hbm>>
    %dma_wait3A_152 = tpu.memref_squeeze %dma_wait3A_151 : memref<1x1000000x64xf32, #tpu.memory_space<hbm>> -> memref<1000000x64xf32, #tpu.memory_space<hbm>>
    %dma_wait3A_153 = arith.constant 0 : i32
    %dma_wait3A_154 = arith.constant 0 : i32
    %dma_wait3A_155 = tpu.memref_slice %dma_wait3A_152[%dma_wait3A_153, %dma_wait3A_154] : memref<1000000x64xf32, #tpu.memory_space<hbm>> -> memref<1x64xf32, #tpu.memory_space<hbm>>
    tpu.wait_dma2 semaphore(%arg7 : memref<!tpu.dma_semaphore, #tpu.memory_space<semaphore_mem>>) src(%dma_wait3A_155 : memref<1x64xf32, #tpu.memory_space<hbm>>) dst(%dma_wait3A_148 : memref<1x64xf32, #tpu.memory_space<vmem>>)
    %dma_wait3A_156 = arith.constant 0 : i32
    %dma_wait3A_157 = arith.constant 487 : i32
    %dma_wait3A_158 = arith.constant 0 : i32
    %dma_wait3A_159 = tpu.memref_slice %arg6[%dma_wait3A_157, %dma_wait3A_158] : memref<512x64xf32, #tpu.memory_space<vmem>> -> memref<1x64xf32, #tpu.memory_space<vmem>>
    %dma_wait3A_160 = arith.constant 0 : i32
    %dma_wait3A_161 = arith.constant 0 : i32
    %dma_wait3A_162 = tpu.memref_slice %arg2[%dma_wait3A_156, %dma_wait3A_160, %dma_wait3A_161] : memref<1x1000000x64xf32, #tpu.memory_space<hbm>> -> memref<1x1000000x64xf32, #tpu.memory_space<hbm>>
    %dma_wait3A_163 = tpu.memref_squeeze %dma_wait3A_162 : memref<1x1000000x64xf32, #tpu.memory_space<hbm>> -> memref<1000000x64xf32, #tpu.memory_space<hbm>>
    %dma_wait3A_164 = arith.constant 0 : i32
    %dma_wait3A_165 = arith.constant 0 : i32
    %dma_wait3A_166 = tpu.memref_slice %dma_wait3A_163[%dma_wait3A_164, %dma_wait3A_165] : memref<1000000x64xf32, #tpu.memory_space<hbm>> -> memref<1x64xf32, #tpu.memory_space<hbm>>
    %dma_wait3A_167 = arith.constant 487 : i32
    %dma_wait3A_168 = arith.constant 0 : i32
    %dma_wait3A_169 = tpu.memref_slice %arg6[%dma_wait3A_167, %dma_wait3A_168] : memref<512x64xf32, #tpu.memory_space<vmem>> -> memref<1x64xf32, #tpu.memory_space<vmem>>
    %dma_wait3A_170 = arith.constant 0 : i32
    %dma_wait3A_171 = arith.constant 0 : i32
    %dma_wait3A_172 = tpu.memref_slice %arg2[%dma_wait3A_156, %dma_wait3A_170, %dma_wait3A_171] : memref<1x1000000x64xf32, #tpu.memory_space<hbm>> -> memref<1x1000000x64xf32, #tpu.memory_space<hbm>>
    %dma_wait3A_173 = tpu.memref_squeeze %dma_wait3A_172 : memref<1x1000000x64xf32, #tpu.memory_space<hbm>> -> memref<1000000x64xf32, #tpu.memory_space<hbm>>
    %dma_wait3A_174 = arith.constant 0 : i32
    %dma_wait3A_175 = arith.constant 0 : i32
    %dma_wait3A_176 = tpu.memref_slice %dma_wait3A_173[%dma_wait3A_174, %dma_wait3A_175] : memref<1000000x64xf32, #tpu.memory_space<hbm>> -> memref<1x64xf32, #tpu.memory_space<hbm>>
    tpu.wait_dma2 semaphore(%arg7 : memref<!tpu.dma_semaphore, #tpu.memory_space<semaphore_mem>>) src(%dma_wait3A_176 : memref<1x64xf32, #tpu.memory_space<hbm>>) dst(%dma_wait3A_169 : memref<1x64xf32, #tpu.memory_space<vmem>>)
    %dma_wait3A_177 = arith.constant 0 : i32
    %dma_wait3A_178 = arith.constant 488 : i32
    %dma_wait3A_179 = arith.constant 0 : i32
    %dma_wait3A_180 = tpu.memref_slice %arg6[%dma_wait3A_178, %dma_wait3A_179] : memref<512x64xf32, #tpu.memory_space<vmem>> -> memref<1x64xf32, #tpu.memory_space<vmem>>
    %dma_wait3A_181 = arith.constant 0 : i32
    %dma_wait3A_182 = arith.constant 0 : i32
    %dma_wait3A_183 = tpu.memref_slice %arg2[%dma_wait3A_177, %dma_wait3A_181, %dma_wait3A_182] : memref<1x1000000x64xf32, #tpu.memory_space<hbm>> -> memref<1x1000000x64xf32, #tpu.memory_space<hbm>>
    %dma_wait3A_184 = tpu.memref_squeeze %dma_wait3A_183 : memref<1x1000000x64xf32, #tpu.memory_space<hbm>> -> memref<1000000x64xf32, #tpu.memory_space<hbm>>
    %dma_wait3A_185 = arith.constant 0 : i32
    %dma_wait3A_186 = arith.constant 0 : i32
    %dma_wait3A_187 = tpu.memref_slice %dma_wait3A_184[%dma_wait3A_185, %dma_wait3A_186] : memref<1000000x64xf32, #tpu.memory_space<hbm>> -> memref<1x64xf32, #tpu.memory_space<hbm>>
    %dma_wait3A_188 = arith.constant 488 : i32
    %dma_wait3A_189 = arith.constant 0 : i32
    %dma_wait3A_190 = tpu.memref_slice %arg6[%dma_wait3A_188, %dma_wait3A_189] : memref<512x64xf32, #tpu.memory_space<vmem>> -> memref<1x64xf32, #tpu.memory_space<vmem>>
    %dma_wait3A_191 = arith.constant 0 : i32
    %dma_wait3A_192 = arith.constant 0 : i32
    %dma_wait3A_193 = tpu.memref_slice %arg2[%dma_wait3A_177, %dma_wait3A_191, %dma_wait3A_192] : memref<1x1000000x64xf32, #tpu.memory_space<hbm>> -> memref<1x1000000x64xf32, #tpu.memory_space<hbm>>
    %dma_wait3A_194 = tpu.memref_squeeze %dma_wait3A_193 : memref<1x1000000x64xf32, #tpu.memory_space<hbm>> -> memref<1000000x64xf32, #tpu.memory_space<hbm>>
    %dma_wait3A_195 = arith.constant 0 : i32
    %dma_wait3A_196 = arith.constant 0 : i32
    %dma_wait3A_197 = tpu.memref_slice %dma_wait3A_194[%dma_wait3A_195, %dma_wait3A_196] : memref<1000000x64xf32, #tpu.memory_space<hbm>> -> memref<1x64xf32, #tpu.memory_space<hbm>>
    tpu.wait_dma2 semaphore(%arg7 : memref<!tpu.dma_semaphore, #tpu.memory_space<semaphore_mem>>) src(%dma_wait3A_197 : memref<1x64xf32, #tpu.memory_space<hbm>>) dst(%dma_wait3A_190 : memref<1x64xf32, #tpu.memory_space<vmem>>)
    %dma_wait3A_198 = arith.constant 0 : i32
    %dma_wait3A_199 = arith.constant 489 : i32
    %dma_wait3A_200 = arith.constant 0 : i32
    %dma_wait3A_201 = tpu.memref_slice %arg6[%dma_wait3A_199, %dma_wait3A_200] : memref<512x64xf32, #tpu.memory_space<vmem>> -> memref<1x64xf32, #tpu.memory_space<vmem>>
    %dma_wait3A_202 = arith.constant 0 : i32
    %dma_wait3A_203 = arith.constant 0 : i32
    %dma_wait3A_204 = tpu.memref_slice %arg2[%dma_wait3A_198, %dma_wait3A_202, %dma_wait3A_203] : memref<1x1000000x64xf32, #tpu.memory_space<hbm>> -> memref<1x1000000x64xf32, #tpu.memory_space<hbm>>
    %dma_wait3A_205 = tpu.memref_squeeze %dma_wait3A_204 : memref<1x1000000x64xf32, #tpu.memory_space<hbm>> -> memref<1000000x64xf32, #tpu.memory_space<hbm>>
    %dma_wait3A_206 = arith.constant 0 : i32
    %dma_wait3A_207 = arith.constant 0 : i32
    %dma_wait3A_208 = tpu.memref_slice %dma_wait3A_205[%dma_wait3A_206, %dma_wait3A_207] : memref<1000000x64xf32, #tpu.memory_space<hbm>> -> memref<1x64xf32, #tpu.memory_space<hbm>>
    %dma_wait3A_209 = arith.constant 489 : i32
    %dma_wait3A_210 = arith.constant 0 : i32
    %dma_wait3A_211 = tpu.memref_slice %arg6[%dma_wait3A_209, %dma_wait3A_210] : memref<512x64xf32, #tpu.memory_space<vmem>> -> memref<1x64xf32, #tpu.memory_space<vmem>>
    %dma_wait3A_212 = arith.constant 0 : i32
    %dma_wait3A_213 = arith.constant 0 : i32
    %dma_wait3A_214 = tpu.memref_slice %arg2[%dma_wait3A_198, %dma_wait3A_212, %dma_wait3A_213] : memref<1x1000000x64xf32, #tpu.memory_space<hbm>> -> memref<1x1000000x64xf32, #tpu.memory_space<hbm>>
    %dma_wait3A_215 = tpu.memref_squeeze %dma_wait3A_214 : memref<1x1000000x64xf32, #tpu.memory_space<hbm>> -> memref<1000000x64xf32, #tpu.memory_space<hbm>>
    %dma_wait3A_216 = arith.constant 0 : i32
    %dma_wait3A_217 = arith.constant 0 : i32
    %dma_wait3A_218 = tpu.memref_slice %dma_wait3A_215[%dma_wait3A_216, %dma_wait3A_217] : memref<1000000x64xf32, #tpu.memory_space<hbm>> -> memref<1x64xf32, #tpu.memory_space<hbm>>
    tpu.wait_dma2 semaphore(%arg7 : memref<!tpu.dma_semaphore, #tpu.memory_space<semaphore_mem>>) src(%dma_wait3A_218 : memref<1x64xf32, #tpu.memory_space<hbm>>) dst(%dma_wait3A_211 : memref<1x64xf32, #tpu.memory_space<vmem>>)
    %dma_wait3A_219 = arith.constant 0 : i32
    %dma_wait3A_220 = arith.constant 490 : i32
    %dma_wait3A_221 = arith.constant 0 : i32
    %dma_wait3A_222 = tpu.memref_slice %arg6[%dma_wait3A_220, %dma_wait3A_221] : memref<512x64xf32, #tpu.memory_space<vmem>> -> memref<1x64xf32, #tpu.memory_space<vmem>>
    %dma_wait3A_223 = arith.constant 0 : i32
    %dma_wait3A_224 = arith.constant 0 : i32
    %dma_wait3A_225 = tpu.memref_slice %arg2[%dma_wait3A_219, %dma_wait3A_223, %dma_wait3A_224] : memref<1x1000000x64xf32, #tpu.memory_space<hbm>> -> memref<1x1000000x64xf32, #tpu.memory_space<hbm>>
    %dma_wait3A_226 = tpu.memref_squeeze %dma_wait3A_225 : memref<1x1000000x64xf32, #tpu.memory_space<hbm>> -> memref<1000000x64xf32, #tpu.memory_space<hbm>>
    %dma_wait3A_227 = arith.constant 0 : i32
    %dma_wait3A_228 = arith.constant 0 : i32
    %dma_wait3A_229 = tpu.memref_slice %dma_wait3A_226[%dma_wait3A_227, %dma_wait3A_228] : memref<1000000x64xf32, #tpu.memory_space<hbm>> -> memref<1x64xf32, #tpu.memory_space<hbm>>
    %dma_wait3A_230 = arith.constant 490 : i32
    %dma_wait3A_231 = arith.constant 0 : i32
    %dma_wait3A_232 = tpu.memref_slice %arg6[%dma_wait3A_230, %dma_wait3A_231] : memref<512x64xf32, #tpu.memory_space<vmem>> -> memref<1x64xf32, #tpu.memory_space<vmem>>
    %dma_wait3A_233 = arith.constant 0 : i32
    %dma_wait3A_234 = arith.constant 0 : i32
    %dma_wait3A_235 = tpu.memref_slice %arg2[%dma_wait3A_219, %dma_wait3A_233, %dma_wait3A_234] : memref<1x1000000x64xf32, #tpu.memory_space<hbm>> -> memref<1x1000000x64xf32, #tpu.memory_space<hbm>>
    %dma_wait3A_236 = tpu.memref_squeeze %dma_wait3A_235 : memref<1x1000000x64xf32, #tpu.memory_space<hbm>> -> memref<1000000x64xf32, #tpu.memory_space<hbm>>
    %dma_wait3A_237 = arith.constant 0 : i32
    %dma_wait3A_238 = arith.constant 0 : i32
    %dma_wait3A_239 = tpu.memref_slice %dma_wait3A_236[%dma_wait3A_237, %dma_wait3A_238] : memref<1000000x64xf32, #tpu.memory_space<hbm>> -> memref<1x64xf32, #tpu.memory_space<hbm>>
    tpu.wait_dma2 semaphore(%arg7 : memref<!tpu.dma_semaphore, #tpu.memory_space<semaphore_mem>>) src(%dma_wait3A_239 : memref<1x64xf32, #tpu.memory_space<hbm>>) dst(%dma_wait3A_232 : memref<1x64xf32, #tpu.memory_space<vmem>>)
    %dma_wait3A_240 = arith.constant 0 : i32
    %dma_wait3A_241 = arith.constant 491 : i32
    %dma_wait3A_242 = arith.constant 0 : i32
    %dma_wait3A_243 = tpu.memref_slice %arg6[%dma_wait3A_241, %dma_wait3A_242] : memref<512x64xf32, #tpu.memory_space<vmem>> -> memref<1x64xf32, #tpu.memory_space<vmem>>
    %dma_wait3A_244 = arith.constant 0 : i32
    %dma_wait3A_245 = arith.constant 0 : i32
    %dma_wait3A_246 = tpu.memref_slice %arg2[%dma_wait3A_240, %dma_wait3A_244, %dma_wait3A_245] : memref<1x1000000x64xf32, #tpu.memory_space<hbm>> -> memref<1x1000000x64xf32, #tpu.memory_space<hbm>>
    %dma_wait3A_247 = tpu.memref_squeeze %dma_wait3A_246 : memref<1x1000000x64xf32, #tpu.memory_space<hbm>> -> memref<1000000x64xf32, #tpu.memory_space<hbm>>
    %dma_wait3A_248 = arith.constant 0 : i32
    %dma_wait3A_249 = arith.constant 0 : i32
    %dma_wait3A_250 = tpu.memref_slice %dma_wait3A_247[%dma_wait3A_248, %dma_wait3A_249] : memref<1000000x64xf32, #tpu.memory_space<hbm>> -> memref<1x64xf32, #tpu.memory_space<hbm>>
    %dma_wait3A_251 = arith.constant 491 : i32
    %dma_wait3A_252 = arith.constant 0 : i32
    %dma_wait3A_253 = tpu.memref_slice %arg6[%dma_wait3A_251, %dma_wait3A_252] : memref<512x64xf32, #tpu.memory_space<vmem>> -> memref<1x64xf32, #tpu.memory_space<vmem>>
    %dma_wait3A_254 = arith.constant 0 : i32
    %dma_wait3A_255 = arith.constant 0 : i32
    %dma_wait3A_256 = tpu.memref_slice %arg2[%dma_wait3A_240, %dma_wait3A_254, %dma_wait3A_255] : memref<1x1000000x64xf32, #tpu.memory_space<hbm>> -> memref<1x1000000x64xf32, #tpu.memory_space<hbm>>
    %dma_wait3A_257 = tpu.memref_squeeze %dma_wait3A_256 : memref<1x1000000x64xf32, #tpu.memory_space<hbm>> -> memref<1000000x64xf32, #tpu.memory_space<hbm>>
    %dma_wait3A_258 = arith.constant 0 : i32
    %dma_wait3A_259 = arith.constant 0 : i32
    %dma_wait3A_260 = tpu.memref_slice %dma_wait3A_257[%dma_wait3A_258, %dma_wait3A_259] : memref<1000000x64xf32, #tpu.memory_space<hbm>> -> memref<1x64xf32, #tpu.memory_space<hbm>>
    tpu.wait_dma2 semaphore(%arg7 : memref<!tpu.dma_semaphore, #tpu.memory_space<semaphore_mem>>) src(%dma_wait3A_260 : memref<1x64xf32, #tpu.memory_space<hbm>>) dst(%dma_wait3A_253 : memref<1x64xf32, #tpu.memory_space<vmem>>)
    %dma_wait3A_261 = arith.constant 0 : i32
    %dma_wait3A_262 = arith.constant 492 : i32
    %dma_wait3A_263 = arith.constant 0 : i32
    %dma_wait3A_264 = tpu.memref_slice %arg6[%dma_wait3A_262, %dma_wait3A_263] : memref<512x64xf32, #tpu.memory_space<vmem>> -> memref<1x64xf32, #tpu.memory_space<vmem>>
    %dma_wait3A_265 = arith.constant 0 : i32
    %dma_wait3A_266 = arith.constant 0 : i32
    %dma_wait3A_267 = tpu.memref_slice %arg2[%dma_wait3A_261, %dma_wait3A_265, %dma_wait3A_266] : memref<1x1000000x64xf32, #tpu.memory_space<hbm>> -> memref<1x1000000x64xf32, #tpu.memory_space<hbm>>
    %dma_wait3A_268 = tpu.memref_squeeze %dma_wait3A_267 : memref<1x1000000x64xf32, #tpu.memory_space<hbm>> -> memref<1000000x64xf32, #tpu.memory_space<hbm>>
    %dma_wait3A_269 = arith.constant 0 : i32
    %dma_wait3A_270 = arith.constant 0 : i32
    %dma_wait3A_271 = tpu.memref_slice %dma_wait3A_268[%dma_wait3A_269, %dma_wait3A_270] : memref<1000000x64xf32, #tpu.memory_space<hbm>> -> memref<1x64xf32, #tpu.memory_space<hbm>>
    %dma_wait3A_272 = arith.constant 492 : i32
    %dma_wait3A_273 = arith.constant 0 : i32
    %dma_wait3A_274 = tpu.memref_slice %arg6[%dma_wait3A_272, %dma_wait3A_273] : memref<512x64xf32, #tpu.memory_space<vmem>> -> memref<1x64xf32, #tpu.memory_space<vmem>>
    %dma_wait3A_275 = arith.constant 0 : i32
    %dma_wait3A_276 = arith.constant 0 : i32
    %dma_wait3A_277 = tpu.memref_slice %arg2[%dma_wait3A_261, %dma_wait3A_275, %dma_wait3A_276] : memref<1x1000000x64xf32, #tpu.memory_space<hbm>> -> memref<1x1000000x64xf32, #tpu.memory_space<hbm>>
    %dma_wait3A_278 = tpu.memref_squeeze %dma_wait3A_277 : memref<1x1000000x64xf32, #tpu.memory_space<hbm>> -> memref<1000000x64xf32, #tpu.memory_space<hbm>>
    %dma_wait3A_279 = arith.constant 0 : i32
    %dma_wait3A_280 = arith.constant 0 : i32
    %dma_wait3A_281 = tpu.memref_slice %dma_wait3A_278[%dma_wait3A_279, %dma_wait3A_280] : memref<1000000x64xf32, #tpu.memory_space<hbm>> -> memref<1x64xf32, #tpu.memory_space<hbm>>
    tpu.wait_dma2 semaphore(%arg7 : memref<!tpu.dma_semaphore, #tpu.memory_space<semaphore_mem>>) src(%dma_wait3A_281 : memref<1x64xf32, #tpu.memory_space<hbm>>) dst(%dma_wait3A_274 : memref<1x64xf32, #tpu.memory_space<vmem>>)
    %dma_wait3A_282 = arith.constant 0 : i32
    %dma_wait3A_283 = arith.constant 493 : i32
    %dma_wait3A_284 = arith.constant 0 : i32
    %dma_wait3A_285 = tpu.memref_slice %arg6[%dma_wait3A_283, %dma_wait3A_284] : memref<512x64xf32, #tpu.memory_space<vmem>> -> memref<1x64xf32, #tpu.memory_space<vmem>>
    %dma_wait3A_286 = arith.constant 0 : i32
    %dma_wait3A_287 = arith.constant 0 : i32
    %dma_wait3A_288 = tpu.memref_slice %arg2[%dma_wait3A_282, %dma_wait3A_286, %dma_wait3A_287] : memref<1x1000000x64xf32, #tpu.memory_space<hbm>> -> memref<1x1000000x64xf32, #tpu.memory_space<hbm>>
    %dma_wait3A_289 = tpu.memref_squeeze %dma_wait3A_288 : memref<1x1000000x64xf32, #tpu.memory_space<hbm>> -> memref<1000000x64xf32, #tpu.memory_space<hbm>>
    %dma_wait3A_290 = arith.constant 0 : i32
    %dma_wait3A_291 = arith.constant 0 : i32
    %dma_wait3A_292 = tpu.memref_slice %dma_wait3A_289[%dma_wait3A_290, %dma_wait3A_291] : memref<1000000x64xf32, #tpu.memory_space<hbm>> -> memref<1x64xf32, #tpu.memory_space<hbm>>
    %dma_wait3A_293 = arith.constant 493 : i32
    %dma_wait3A_294 = arith.constant 0 : i32
    %dma_wait3A_295 = tpu.memref_slice %arg6[%dma_wait3A_293, %dma_wait3A_294] : memref<512x64xf32, #tpu.memory_space<vmem>> -> memref<1x64xf32, #tpu.memory_space<vmem>>
    %dma_wait3A_296 = arith.constant 0 : i32
    %dma_wait3A_297 = arith.constant 0 : i32
    %dma_wait3A_298 = tpu.memref_slice %arg2[%dma_wait3A_282, %dma_wait3A_296, %dma_wait3A_297] : memref<1x1000000x64xf32, #tpu.memory_space<hbm>> -> memref<1x1000000x64xf32, #tpu.memory_space<hbm>>
    %dma_wait3A_299 = tpu.memref_squeeze %dma_wait3A_298 : memref<1x1000000x64xf32, #tpu.memory_space<hbm>> -> memref<1000000x64xf32, #tpu.memory_space<hbm>>
    %dma_wait3A_300 = arith.constant 0 : i32
    %dma_wait3A_301 = arith.constant 0 : i32
    %dma_wait3A_302 = tpu.memref_slice %dma_wait3A_299[%dma_wait3A_300, %dma_wait3A_301] : memref<1000000x64xf32, #tpu.memory_space<hbm>> -> memref<1x64xf32, #tpu.memory_space<hbm>>
    tpu.wait_dma2 semaphore(%arg7 : memref<!tpu.dma_semaphore, #tpu.memory_space<semaphore_mem>>) src(%dma_wait3A_302 : memref<1x64xf32, #tpu.memory_space<hbm>>) dst(%dma_wait3A_295 : memref<1x64xf32, #tpu.memory_space<vmem>>)
    %dma_wait3A_303 = arith.constant 0 : i32
    %dma_wait3A_304 = arith.constant 494 : i32
    %dma_wait3A_305 = arith.constant 0 : i32
    %dma_wait3A_306 = tpu.memref_slice %arg6[%dma_wait3A_304, %dma_wait3A_305] : memref<512x64xf32, #tpu.memory_space<vmem>> -> memref<1x64xf32, #tpu.memory_space<vmem>>
    %dma_wait3A_307 = arith.constant 0 : i32
    %dma_wait3A_308 = arith.constant 0 : i32
    %dma_wait3A_309 = tpu.memref_slice %arg2[%dma_wait3A_303, %dma_wait3A_307, %dma_wait3A_308] : memref<1x1000000x64xf32, #tpu.memory_space<hbm>> -> memref<1x1000000x64xf32, #tpu.memory_space<hbm>>
    %dma_wait3A_310 = tpu.memref_squeeze %dma_wait3A_309 : memref<1x1000000x64xf32, #tpu.memory_space<hbm>> -> memref<1000000x64xf32, #tpu.memory_space<hbm>>
    %dma_wait3A_311 = arith.constant 0 : i32
    %dma_wait3A_312 = arith.constant 0 : i32
    %dma_wait3A_313 = tpu.memref_slice %dma_wait3A_310[%dma_wait3A_311, %dma_wait3A_312] : memref<1000000x64xf32, #tpu.memory_space<hbm>> -> memref<1x64xf32, #tpu.memory_space<hbm>>
    %dma_wait3A_314 = arith.constant 494 : i32
    %dma_wait3A_315 = arith.constant 0 : i32
    %dma_wait3A_316 = tpu.memref_slice %arg6[%dma_wait3A_314, %dma_wait3A_315] : memref<512x64xf32, #tpu.memory_space<vmem>> -> memref<1x64xf32, #tpu.memory_space<vmem>>
    %dma_wait3A_317 = arith.constant 0 : i32
    %dma_wait3A_318 = arith.constant 0 : i32
    %dma_wait3A_319 = tpu.memref_slice %arg2[%dma_wait3A_303, %dma_wait3A_317, %dma_wait3A_318] : memref<1x1000000x64xf32, #tpu.memory_space<hbm>> -> memref<1x1000000x64xf32, #tpu.memory_space<hbm>>
    %dma_wait3A_320 = tpu.memref_squeeze %dma_wait3A_319 : memref<1x1000000x64xf32, #tpu.memory_space<hbm>> -> memref<1000000x64xf32, #tpu.memory_space<hbm>>
    %dma_wait3A_321 = arith.constant 0 : i32
    %dma_wait3A_322 = arith.constant 0 : i32
    %dma_wait3A_323 = tpu.memref_slice %dma_wait3A_320[%dma_wait3A_321, %dma_wait3A_322] : memref<1000000x64xf32, #tpu.memory_space<hbm>> -> memref<1x64xf32, #tpu.memory_space<hbm>>
    tpu.wait_dma2 semaphore(%arg7 : memref<!tpu.dma_semaphore, #tpu.memory_space<semaphore_mem>>) src(%dma_wait3A_323 : memref<1x64xf32, #tpu.memory_space<hbm>>) dst(%dma_wait3A_316 : memref<1x64xf32, #tpu.memory_space<vmem>>)
    %dma_wait3A_324 = arith.constant 0 : i32
    %dma_wait3A_325 = arith.constant 495 : i32
    %dma_wait3A_326 = arith.constant 0 : i32
    %dma_wait3A_327 = tpu.memref_slice %arg6[%dma_wait3A_325, %dma_wait3A_326] : memref<512x64xf32, #tpu.memory_space<vmem>> -> memref<1x64xf32, #tpu.memory_space<vmem>>
    %dma_wait3A_328 = arith.constant 0 : i32
    %dma_wait3A_329 = arith.constant 0 : i32
    %dma_wait3A_330 = tpu.memref_slice %arg2[%dma_wait3A_324, %dma_wait3A_328, %dma_wait3A_329] : memref<1x1000000x64xf32, #tpu.memory_space<hbm>> -> memref<1x1000000x64xf32, #tpu.memory_space<hbm>>
    %dma_wait3A_331 = tpu.memref_squeeze %dma_wait3A_330 : memref<1x1000000x64xf32, #tpu.memory_space<hbm>> -> memref<1000000x64xf32, #tpu.memory_space<hbm>>
    %dma_wait3A_332 = arith.constant 0 : i32
    %dma_wait3A_333 = arith.constant 0 : i32
    %dma_wait3A_334 = tpu.memref_slice %dma_wait3A_331[%dma_wait3A_332, %dma_wait3A_333] : memref<1000000x64xf32, #tpu.memory_space<hbm>> -> memref<1x64xf32, #tpu.memory_space<hbm>>
    %dma_wait3A_335 = arith.constant 495 : i32
    %dma_wait3A_336 = arith.constant 0 : i32
    %dma_wait3A_337 = tpu.memref_slice %arg6[%dma_wait3A_335, %dma_wait3A_336] : memref<512x64xf32, #tpu.memory_space<vmem>> -> memref<1x64xf32, #tpu.memory_space<vmem>>
    %dma_wait3A_338 = arith.constant 0 : i32
    %dma_wait3A_339 = arith.constant 0 : i32
    %dma_wait3A_340 = tpu.memref_slice %arg2[%dma_wait3A_324, %dma_wait3A_338, %dma_wait3A_339] : memref<1x1000000x64xf32, #tpu.memory_space<hbm>> -> memref<1x1000000x64xf32, #tpu.memory_space<hbm>>
    %dma_wait3A_341 = tpu.memref_squeeze %dma_wait3A_340 : memref<1x1000000x64xf32, #tpu.memory_space<hbm>> -> memref<1000000x64xf32, #tpu.memory_space<hbm>>
    %dma_wait3A_342 = arith.constant 0 : i32
    %dma_wait3A_343 = arith.constant 0 : i32
    %dma_wait3A_344 = tpu.memref_slice %dma_wait3A_341[%dma_wait3A_342, %dma_wait3A_343] : memref<1000000x64xf32, #tpu.memory_space<hbm>> -> memref<1x64xf32, #tpu.memory_space<hbm>>
    tpu.wait_dma2 semaphore(%arg7 : memref<!tpu.dma_semaphore, #tpu.memory_space<semaphore_mem>>) src(%dma_wait3A_344 : memref<1x64xf32, #tpu.memory_space<hbm>>) dst(%dma_wait3A_337 : memref<1x64xf32, #tpu.memory_space<vmem>>)
    %dma_wait3A_345 = arith.constant 0 : i32
    %dma_wait3A_346 = arith.constant 496 : i32
    %dma_wait3A_347 = arith.constant 0 : i32
    %dma_wait3A_348 = tpu.memref_slice %arg6[%dma_wait3A_346, %dma_wait3A_347] : memref<512x64xf32, #tpu.memory_space<vmem>> -> memref<1x64xf32, #tpu.memory_space<vmem>>
    %dma_wait3A_349 = arith.constant 0 : i32
    %dma_wait3A_350 = arith.constant 0 : i32
    %dma_wait3A_351 = tpu.memref_slice %arg2[%dma_wait3A_345, %dma_wait3A_349, %dma_wait3A_350] : memref<1x1000000x64xf32, #tpu.memory_space<hbm>> -> memref<1x1000000x64xf32, #tpu.memory_space<hbm>>
    %dma_wait3A_352 = tpu.memref_squeeze %dma_wait3A_351 : memref<1x1000000x64xf32, #tpu.memory_space<hbm>> -> memref<1000000x64xf32, #tpu.memory_space<hbm>>
    %dma_wait3A_353 = arith.constant 0 : i32
    %dma_wait3A_354 = arith.constant 0 : i32
    %dma_wait3A_355 = tpu.memref_slice %dma_wait3A_352[%dma_wait3A_353, %dma_wait3A_354] : memref<1000000x64xf32, #tpu.memory_space<hbm>> -> memref<1x64xf32, #tpu.memory_space<hbm>>
    %dma_wait3A_356 = arith.constant 496 : i32
    %dma_wait3A_357 = arith.constant 0 : i32
    %dma_wait3A_358 = tpu.memref_slice %arg6[%dma_wait3A_356, %dma_wait3A_357] : memref<512x64xf32, #tpu.memory_space<vmem>> -> memref<1x64xf32, #tpu.memory_space<vmem>>
    %dma_wait3A_359 = arith.constant 0 : i32
    %dma_wait3A_360 = arith.constant 0 : i32
    %dma_wait3A_361 = tpu.memref_slice %arg2[%dma_wait3A_345, %dma_wait3A_359, %dma_wait3A_360] : memref<1x1000000x64xf32, #tpu.memory_space<hbm>> -> memref<1x1000000x64xf32, #tpu.memory_space<hbm>>
    %dma_wait3A_362 = tpu.memref_squeeze %dma_wait3A_361 : memref<1x1000000x64xf32, #tpu.memory_space<hbm>> -> memref<1000000x64xf32, #tpu.memory_space<hbm>>
    %dma_wait3A_363 = arith.constant 0 : i32
    %dma_wait3A_364 = arith.constant 0 : i32
    %dma_wait3A_365 = tpu.memref_slice %dma_wait3A_362[%dma_wait3A_363, %dma_wait3A_364] : memref<1000000x64xf32, #tpu.memory_space<hbm>> -> memref<1x64xf32, #tpu.memory_space<hbm>>
    tpu.wait_dma2 semaphore(%arg7 : memref<!tpu.dma_semaphore, #tpu.memory_space<semaphore_mem>>) src(%dma_wait3A_365 : memref<1x64xf32, #tpu.memory_space<hbm>>) dst(%dma_wait3A_358 : memref<1x64xf32, #tpu.memory_space<vmem>>)
    %dma_wait3A_366 = arith.constant 0 : i32
    %dma_wait3A_367 = arith.constant 497 : i32
    %dma_wait3A_368 = arith.constant 0 : i32
    %dma_wait3A_369 = tpu.memref_slice %arg6[%dma_wait3A_367, %dma_wait3A_368] : memref<512x64xf32, #tpu.memory_space<vmem>> -> memref<1x64xf32, #tpu.memory_space<vmem>>
    %dma_wait3A_370 = arith.constant 0 : i32
    %dma_wait3A_371 = arith.constant 0 : i32
    %dma_wait3A_372 = tpu.memref_slice %arg2[%dma_wait3A_366, %dma_wait3A_370, %dma_wait3A_371] : memref<1x1000000x64xf32, #tpu.memory_space<hbm>> -> memref<1x1000000x64xf32, #tpu.memory_space<hbm>>
    %dma_wait3A_373 = tpu.memref_squeeze %dma_wait3A_372 : memref<1x1000000x64xf32, #tpu.memory_space<hbm>> -> memref<1000000x64xf32, #tpu.memory_space<hbm>>
    %dma_wait3A_374 = arith.constant 0 : i32
    %dma_wait3A_375 = arith.constant 0 : i32
    %dma_wait3A_376 = tpu.memref_slice %dma_wait3A_373[%dma_wait3A_374, %dma_wait3A_375] : memref<1000000x64xf32, #tpu.memory_space<hbm>> -> memref<1x64xf32, #tpu.memory_space<hbm>>
    %dma_wait3A_377 = arith.constant 497 : i32
    %dma_wait3A_378 = arith.constant 0 : i32
    %dma_wait3A_379 = tpu.memref_slice %arg6[%dma_wait3A_377, %dma_wait3A_378] : memref<512x64xf32, #tpu.memory_space<vmem>> -> memref<1x64xf32, #tpu.memory_space<vmem>>
    %dma_wait3A_380 = arith.constant 0 : i32
    %dma_wait3A_381 = arith.constant 0 : i32
    %dma_wait3A_382 = tpu.memref_slice %arg2[%dma_wait3A_366, %dma_wait3A_380, %dma_wait3A_381] : memref<1x1000000x64xf32, #tpu.memory_space<hbm>> -> memref<1x1000000x64xf32, #tpu.memory_space<hbm>>
    %dma_wait3A_383 = tpu.memref_squeeze %dma_wait3A_382 : memref<1x1000000x64xf32, #tpu.memory_space<hbm>> -> memref<1000000x64xf32, #tpu.memory_space<hbm>>
    %dma_wait3A_384 = arith.constant 0 : i32
    %dma_wait3A_385 = arith.constant 0 : i32
    %dma_wait3A_386 = tpu.memref_slice %dma_wait3A_383[%dma_wait3A_384, %dma_wait3A_385] : memref<1000000x64xf32, #tpu.memory_space<hbm>> -> memref<1x64xf32, #tpu.memory_space<hbm>>
    tpu.wait_dma2 semaphore(%arg7 : memref<!tpu.dma_semaphore, #tpu.memory_space<semaphore_mem>>) src(%dma_wait3A_386 : memref<1x64xf32, #tpu.memory_space<hbm>>) dst(%dma_wait3A_379 : memref<1x64xf32, #tpu.memory_space<vmem>>)
    %dma_wait3A_387 = arith.constant 0 : i32
    %dma_wait3A_388 = arith.constant 498 : i32
    %dma_wait3A_389 = arith.constant 0 : i32
    %dma_wait3A_390 = tpu.memref_slice %arg6[%dma_wait3A_388, %dma_wait3A_389] : memref<512x64xf32, #tpu.memory_space<vmem>> -> memref<1x64xf32, #tpu.memory_space<vmem>>
    %dma_wait3A_391 = arith.constant 0 : i32
    %dma_wait3A_392 = arith.constant 0 : i32
    %dma_wait3A_393 = tpu.memref_slice %arg2[%dma_wait3A_387, %dma_wait3A_391, %dma_wait3A_392] : memref<1x1000000x64xf32, #tpu.memory_space<hbm>> -> memref<1x1000000x64xf32, #tpu.memory_space<hbm>>
    %dma_wait3A_394 = tpu.memref_squeeze %dma_wait3A_393 : memref<1x1000000x64xf32, #tpu.memory_space<hbm>> -> memref<1000000x64xf32, #tpu.memory_space<hbm>>
    %dma_wait3A_395 = arith.constant 0 : i32
    %dma_wait3A_396 = arith.constant 0 : i32
    %dma_wait3A_397 = tpu.memref_slice %dma_wait3A_394[%dma_wait3A_395, %dma_wait3A_396] : memref<1000000x64xf32, #tpu.memory_space<hbm>> -> memref<1x64xf32, #tpu.memory_space<hbm>>
    %dma_wait3A_398 = arith.constant 498 : i32
    %dma_wait3A_399 = arith.constant 0 : i32
    %dma_wait3A_400 = tpu.memref_slice %arg6[%dma_wait3A_398, %dma_wait3A_399] : memref<512x64xf32, #tpu.memory_space<vmem>> -> memref<1x64xf32, #tpu.memory_space<vmem>>
    %dma_wait3A_401 = arith.constant 0 : i32
    %dma_wait3A_402 = arith.constant 0 : i32
    %dma_wait3A_403 = tpu.memref_slice %arg2[%dma_wait3A_387, %dma_wait3A_401, %dma_wait3A_402] : memref<1x1000000x64xf32, #tpu.memory_space<hbm>> -> memref<1x1000000x64xf32, #tpu.memory_space<hbm>>
    %dma_wait3A_404 = tpu.memref_squeeze %dma_wait3A_403 : memref<1x1000000x64xf32, #tpu.memory_space<hbm>> -> memref<1000000x64xf32, #tpu.memory_space<hbm>>
    %dma_wait3A_405 = arith.constant 0 : i32
    %dma_wait3A_406 = arith.constant 0 : i32
    %dma_wait3A_407 = tpu.memref_slice %dma_wait3A_404[%dma_wait3A_405, %dma_wait3A_406] : memref<1000000x64xf32, #tpu.memory_space<hbm>> -> memref<1x64xf32, #tpu.memory_space<hbm>>
    tpu.wait_dma2 semaphore(%arg7 : memref<!tpu.dma_semaphore, #tpu.memory_space<semaphore_mem>>) src(%dma_wait3A_407 : memref<1x64xf32, #tpu.memory_space<hbm>>) dst(%dma_wait3A_400 : memref<1x64xf32, #tpu.memory_space<vmem>>)
    %dma_wait3A_408 = arith.constant 0 : i32
    %dma_wait3A_409 = arith.constant 499 : i32
    %dma_wait3A_410 = arith.constant 0 : i32
    %dma_wait3A_411 = tpu.memref_slice %arg6[%dma_wait3A_409, %dma_wait3A_410] : memref<512x64xf32, #tpu.memory_space<vmem>> -> memref<1x64xf32, #tpu.memory_space<vmem>>
    %dma_wait3A_412 = arith.constant 0 : i32
    %dma_wait3A_413 = arith.constant 0 : i32
    %dma_wait3A_414 = tpu.memref_slice %arg2[%dma_wait3A_408, %dma_wait3A_412, %dma_wait3A_413] : memref<1x1000000x64xf32, #tpu.memory_space<hbm>> -> memref<1x1000000x64xf32, #tpu.memory_space<hbm>>
    %dma_wait3A_415 = tpu.memref_squeeze %dma_wait3A_414 : memref<1x1000000x64xf32, #tpu.memory_space<hbm>> -> memref<1000000x64xf32, #tpu.memory_space<hbm>>
    %dma_wait3A_416 = arith.constant 0 : i32
    %dma_wait3A_417 = arith.constant 0 : i32
    %dma_wait3A_418 = tpu.memref_slice %dma_wait3A_415[%dma_wait3A_416, %dma_wait3A_417] : memref<1000000x64xf32, #tpu.memory_space<hbm>> -> memref<1x64xf32, #tpu.memory_space<hbm>>
    %dma_wait3A_419 = arith.constant 499 : i32
    %dma_wait3A_420 = arith.constant 0 : i32
    %dma_wait3A_421 = tpu.memref_slice %arg6[%dma_wait3A_419, %dma_wait3A_420] : memref<512x64xf32, #tpu.memory_space<vmem>> -> memref<1x64xf32, #tpu.memory_space<vmem>>
    %dma_wait3A_422 = arith.constant 0 : i32
    %dma_wait3A_423 = arith.constant 0 : i32
    %dma_wait3A_424 = tpu.memref_slice %arg2[%dma_wait3A_408, %dma_wait3A_422, %dma_wait3A_423] : memref<1x1000000x64xf32, #tpu.memory_space<hbm>> -> memref<1x1000000x64xf32, #tpu.memory_space<hbm>>
    %dma_wait3A_425 = tpu.memref_squeeze %dma_wait3A_424 : memref<1x1000000x64xf32, #tpu.memory_space<hbm>> -> memref<1000000x64xf32, #tpu.memory_space<hbm>>
    %dma_wait3A_426 = arith.constant 0 : i32
    %dma_wait3A_427 = arith.constant 0 : i32
    %dma_wait3A_428 = tpu.memref_slice %dma_wait3A_425[%dma_wait3A_426, %dma_wait3A_427] : memref<1000000x64xf32, #tpu.memory_space<hbm>> -> memref<1x64xf32, #tpu.memory_space<hbm>>
    tpu.wait_dma2 semaphore(%arg7 : memref<!tpu.dma_semaphore, #tpu.memory_space<semaphore_mem>>) src(%dma_wait3A_428 : memref<1x64xf32, #tpu.memory_space<hbm>>) dst(%dma_wait3A_421 : memref<1x64xf32, #tpu.memory_space<vmem>>)
    %dma_wait3A_429 = arith.constant 0 : i32
    %dma_wait3A_430 = arith.constant 500 : i32
    %dma_wait3A_431 = arith.constant 0 : i32
    %dma_wait3A_432 = tpu.memref_slice %arg6[%dma_wait3A_430, %dma_wait3A_431] : memref<512x64xf32, #tpu.memory_space<vmem>> -> memref<1x64xf32, #tpu.memory_space<vmem>>
    %dma_wait3A_433 = arith.constant 0 : i32
    %dma_wait3A_434 = arith.constant 0 : i32
    %dma_wait3A_435 = tpu.memref_slice %arg2[%dma_wait3A_429, %dma_wait3A_433, %dma_wait3A_434] : memref<1x1000000x64xf32, #tpu.memory_space<hbm>> -> memref<1x1000000x64xf32, #tpu.memory_space<hbm>>
    %dma_wait3A_436 = tpu.memref_squeeze %dma_wait3A_435 : memref<1x1000000x64xf32, #tpu.memory_space<hbm>> -> memref<1000000x64xf32, #tpu.memory_space<hbm>>
    %dma_wait3A_437 = arith.constant 0 : i32
    %dma_wait3A_438 = arith.constant 0 : i32
    %dma_wait3A_439 = tpu.memref_slice %dma_wait3A_436[%dma_wait3A_437, %dma_wait3A_438] : memref<1000000x64xf32, #tpu.memory_space<hbm>> -> memref<1x64xf32, #tpu.memory_space<hbm>>
    %dma_wait3A_440 = arith.constant 500 : i32
    %dma_wait3A_441 = arith.constant 0 : i32
    %dma_wait3A_442 = tpu.memref_slice %arg6[%dma_wait3A_440, %dma_wait3A_441] : memref<512x64xf32, #tpu.memory_space<vmem>> -> memref<1x64xf32, #tpu.memory_space<vmem>>
    %dma_wait3A_443 = arith.constant 0 : i32
    %dma_wait3A_444 = arith.constant 0 : i32
    %dma_wait3A_445 = tpu.memref_slice %arg2[%dma_wait3A_429, %dma_wait3A_443, %dma_wait3A_444] : memref<1x1000000x64xf32, #tpu.memory_space<hbm>> -> memref<1x1000000x64xf32, #tpu.memory_space<hbm>>
    %dma_wait3A_446 = tpu.memref_squeeze %dma_wait3A_445 : memref<1x1000000x64xf32, #tpu.memory_space<hbm>> -> memref<1000000x64xf32, #tpu.memory_space<hbm>>
    %dma_wait3A_447 = arith.constant 0 : i32
    %dma_wait3A_448 = arith.constant 0 : i32
    %dma_wait3A_449 = tpu.memref_slice %dma_wait3A_446[%dma_wait3A_447, %dma_wait3A_448] : memref<1000000x64xf32, #tpu.memory_space<hbm>> -> memref<1x64xf32, #tpu.memory_space<hbm>>
    tpu.wait_dma2 semaphore(%arg7 : memref<!tpu.dma_semaphore, #tpu.memory_space<semaphore_mem>>) src(%dma_wait3A_449 : memref<1x64xf32, #tpu.memory_space<hbm>>) dst(%dma_wait3A_442 : memref<1x64xf32, #tpu.memory_space<vmem>>)
    %dma_wait3A_450 = arith.constant 0 : i32
    %dma_wait3A_451 = arith.constant 501 : i32
    %dma_wait3A_452 = arith.constant 0 : i32
    %dma_wait3A_453 = tpu.memref_slice %arg6[%dma_wait3A_451, %dma_wait3A_452] : memref<512x64xf32, #tpu.memory_space<vmem>> -> memref<1x64xf32, #tpu.memory_space<vmem>>
    %dma_wait3A_454 = arith.constant 0 : i32
    %dma_wait3A_455 = arith.constant 0 : i32
    %dma_wait3A_456 = tpu.memref_slice %arg2[%dma_wait3A_450, %dma_wait3A_454, %dma_wait3A_455] : memref<1x1000000x64xf32, #tpu.memory_space<hbm>> -> memref<1x1000000x64xf32, #tpu.memory_space<hbm>>
    %dma_wait3A_457 = tpu.memref_squeeze %dma_wait3A_456 : memref<1x1000000x64xf32, #tpu.memory_space<hbm>> -> memref<1000000x64xf32, #tpu.memory_space<hbm>>
    %dma_wait3A_458 = arith.constant 0 : i32
    %dma_wait3A_459 = arith.constant 0 : i32
    %dma_wait3A_460 = tpu.memref_slice %dma_wait3A_457[%dma_wait3A_458, %dma_wait3A_459] : memref<1000000x64xf32, #tpu.memory_space<hbm>> -> memref<1x64xf32, #tpu.memory_space<hbm>>
    %dma_wait3A_461 = arith.constant 501 : i32
    %dma_wait3A_462 = arith.constant 0 : i32
    %dma_wait3A_463 = tpu.memref_slice %arg6[%dma_wait3A_461, %dma_wait3A_462] : memref<512x64xf32, #tpu.memory_space<vmem>> -> memref<1x64xf32, #tpu.memory_space<vmem>>
    %dma_wait3A_464 = arith.constant 0 : i32
    %dma_wait3A_465 = arith.constant 0 : i32
    %dma_wait3A_466 = tpu.memref_slice %arg2[%dma_wait3A_450, %dma_wait3A_464, %dma_wait3A_465] : memref<1x1000000x64xf32, #tpu.memory_space<hbm>> -> memref<1x1000000x64xf32, #tpu.memory_space<hbm>>
    %dma_wait3A_467 = tpu.memref_squeeze %dma_wait3A_466 : memref<1x1000000x64xf32, #tpu.memory_space<hbm>> -> memref<1000000x64xf32, #tpu.memory_space<hbm>>
    %dma_wait3A_468 = arith.constant 0 : i32
    %dma_wait3A_469 = arith.constant 0 : i32
    %dma_wait3A_470 = tpu.memref_slice %dma_wait3A_467[%dma_wait3A_468, %dma_wait3A_469] : memref<1000000x64xf32, #tpu.memory_space<hbm>> -> memref<1x64xf32, #tpu.memory_space<hbm>>
    tpu.wait_dma2 semaphore(%arg7 : memref<!tpu.dma_semaphore, #tpu.memory_space<semaphore_mem>>) src(%dma_wait3A_470 : memref<1x64xf32, #tpu.memory_space<hbm>>) dst(%dma_wait3A_463 : memref<1x64xf32, #tpu.memory_space<vmem>>)
    %dma_wait3A_471 = arith.constant 0 : i32
    %dma_wait3A_472 = arith.constant 502 : i32
    %dma_wait3A_473 = arith.constant 0 : i32
    %dma_wait3A_474 = tpu.memref_slice %arg6[%dma_wait3A_472, %dma_wait3A_473] : memref<512x64xf32, #tpu.memory_space<vmem>> -> memref<1x64xf32, #tpu.memory_space<vmem>>
    %dma_wait3A_475 = arith.constant 0 : i32
    %dma_wait3A_476 = arith.constant 0 : i32
    %dma_wait3A_477 = tpu.memref_slice %arg2[%dma_wait3A_471, %dma_wait3A_475, %dma_wait3A_476] : memref<1x1000000x64xf32, #tpu.memory_space<hbm>> -> memref<1x1000000x64xf32, #tpu.memory_space<hbm>>
    %dma_wait3A_478 = tpu.memref_squeeze %dma_wait3A_477 : memref<1x1000000x64xf32, #tpu.memory_space<hbm>> -> memref<1000000x64xf32, #tpu.memory_space<hbm>>
    %dma_wait3A_479 = arith.constant 0 : i32
    %dma_wait3A_480 = arith.constant 0 : i32
    %dma_wait3A_481 = tpu.memref_slice %dma_wait3A_478[%dma_wait3A_479, %dma_wait3A_480] : memref<1000000x64xf32, #tpu.memory_space<hbm>> -> memref<1x64xf32, #tpu.memory_space<hbm>>
    %dma_wait3A_482 = arith.constant 502 : i32
    %dma_wait3A_483 = arith.constant 0 : i32
    %dma_wait3A_484 = tpu.memref_slice %arg6[%dma_wait3A_482, %dma_wait3A_483] : memref<512x64xf32, #tpu.memory_space<vmem>> -> memref<1x64xf32, #tpu.memory_space<vmem>>
    %dma_wait3A_485 = arith.constant 0 : i32
    %dma_wait3A_486 = arith.constant 0 : i32
    %dma_wait3A_487 = tpu.memref_slice %arg2[%dma_wait3A_471, %dma_wait3A_485, %dma_wait3A_486] : memref<1x1000000x64xf32, #tpu.memory_space<hbm>> -> memref<1x1000000x64xf32, #tpu.memory_space<hbm>>
    %dma_wait3A_488 = tpu.memref_squeeze %dma_wait3A_487 : memref<1x1000000x64xf32, #tpu.memory_space<hbm>> -> memref<1000000x64xf32, #tpu.memory_space<hbm>>
    %dma_wait3A_489 = arith.constant 0 : i32
    %dma_wait3A_490 = arith.constant 0 : i32
    %dma_wait3A_491 = tpu.memref_slice %dma_wait3A_488[%dma_wait3A_489, %dma_wait3A_490] : memref<1000000x64xf32, #tpu.memory_space<hbm>> -> memref<1x64xf32, #tpu.memory_space<hbm>>
    tpu.wait_dma2 semaphore(%arg7 : memref<!tpu.dma_semaphore, #tpu.memory_space<semaphore_mem>>) src(%dma_wait3A_491 : memref<1x64xf32, #tpu.memory_space<hbm>>) dst(%dma_wait3A_484 : memref<1x64xf32, #tpu.memory_space<vmem>>)
    %dma_wait3A_492 = arith.constant 0 : i32
    %dma_wait3A_493 = arith.constant 503 : i32
    %dma_wait3A_494 = arith.constant 0 : i32
    %dma_wait3A_495 = tpu.memref_slice %arg6[%dma_wait3A_493, %dma_wait3A_494] : memref<512x64xf32, #tpu.memory_space<vmem>> -> memref<1x64xf32, #tpu.memory_space<vmem>>
    %dma_wait3A_496 = arith.constant 0 : i32
    %dma_wait3A_497 = arith.constant 0 : i32
    %dma_wait3A_498 = tpu.memref_slice %arg2[%dma_wait3A_492, %dma_wait3A_496, %dma_wait3A_497] : memref<1x1000000x64xf32, #tpu.memory_space<hbm>> -> memref<1x1000000x64xf32, #tpu.memory_space<hbm>>
    %dma_wait3A_499 = tpu.memref_squeeze %dma_wait3A_498 : memref<1x1000000x64xf32, #tpu.memory_space<hbm>> -> memref<1000000x64xf32, #tpu.memory_space<hbm>>
    %dma_wait3A_500 = arith.constant 0 : i32
    %dma_wait3A_501 = arith.constant 0 : i32
    %dma_wait3A_502 = tpu.memref_slice %dma_wait3A_499[%dma_wait3A_500, %dma_wait3A_501] : memref<1000000x64xf32, #tpu.memory_space<hbm>> -> memref<1x64xf32, #tpu.memory_space<hbm>>
    %dma_wait3A_503 = arith.constant 503 : i32
    %dma_wait3A_504 = arith.constant 0 : i32
    %dma_wait3A_505 = tpu.memref_slice %arg6[%dma_wait3A_503, %dma_wait3A_504] : memref<512x64xf32, #tpu.memory_space<vmem>> -> memref<1x64xf32, #tpu.memory_space<vmem>>
    %dma_wait3A_506 = arith.constant 0 : i32
    %dma_wait3A_507 = arith.constant 0 : i32
    %dma_wait3A_508 = tpu.memref_slice %arg2[%dma_wait3A_492, %dma_wait3A_506, %dma_wait3A_507] : memref<1x1000000x64xf32, #tpu.memory_space<hbm>> -> memref<1x1000000x64xf32, #tpu.memory_space<hbm>>
    %dma_wait3A_509 = tpu.memref_squeeze %dma_wait3A_508 : memref<1x1000000x64xf32, #tpu.memory_space<hbm>> -> memref<1000000x64xf32, #tpu.memory_space<hbm>>
    %dma_wait3A_510 = arith.constant 0 : i32
    %dma_wait3A_511 = arith.constant 0 : i32
    %dma_wait3A_512 = tpu.memref_slice %dma_wait3A_509[%dma_wait3A_510, %dma_wait3A_511] : memref<1000000x64xf32, #tpu.memory_space<hbm>> -> memref<1x64xf32, #tpu.memory_space<hbm>>
    tpu.wait_dma2 semaphore(%arg7 : memref<!tpu.dma_semaphore, #tpu.memory_space<semaphore_mem>>) src(%dma_wait3A_512 : memref<1x64xf32, #tpu.memory_space<hbm>>) dst(%dma_wait3A_505 : memref<1x64xf32, #tpu.memory_space<vmem>>)
    %dma_wait3A_513 = arith.constant 0 : i32
    %dma_wait3A_514 = arith.constant 504 : i32
    %dma_wait3A_515 = arith.constant 0 : i32
    %dma_wait3A_516 = tpu.memref_slice %arg6[%dma_wait3A_514, %dma_wait3A_515] : memref<512x64xf32, #tpu.memory_space<vmem>> -> memref<1x64xf32, #tpu.memory_space<vmem>>
    %dma_wait3A_517 = arith.constant 0 : i32
    %dma_wait3A_518 = arith.constant 0 : i32
    %dma_wait3A_519 = tpu.memref_slice %arg2[%dma_wait3A_513, %dma_wait3A_517, %dma_wait3A_518] : memref<1x1000000x64xf32, #tpu.memory_space<hbm>> -> memref<1x1000000x64xf32, #tpu.memory_space<hbm>>
    %dma_wait3A_520 = tpu.memref_squeeze %dma_wait3A_519 : memref<1x1000000x64xf32, #tpu.memory_space<hbm>> -> memref<1000000x64xf32, #tpu.memory_space<hbm>>
    %dma_wait3A_521 = arith.constant 0 : i32
    %dma_wait3A_522 = arith.constant 0 : i32
    %dma_wait3A_523 = tpu.memref_slice %dma_wait3A_520[%dma_wait3A_521, %dma_wait3A_522] : memref<1000000x64xf32, #tpu.memory_space<hbm>> -> memref<1x64xf32, #tpu.memory_space<hbm>>
    %dma_wait3A_524 = arith.constant 504 : i32
    %dma_wait3A_525 = arith.constant 0 : i32
    %dma_wait3A_526 = tpu.memref_slice %arg6[%dma_wait3A_524, %dma_wait3A_525] : memref<512x64xf32, #tpu.memory_space<vmem>> -> memref<1x64xf32, #tpu.memory_space<vmem>>
    %dma_wait3A_527 = arith.constant 0 : i32
    %dma_wait3A_528 = arith.constant 0 : i32
    %dma_wait3A_529 = tpu.memref_slice %arg2[%dma_wait3A_513, %dma_wait3A_527, %dma_wait3A_528] : memref<1x1000000x64xf32, #tpu.memory_space<hbm>> -> memref<1x1000000x64xf32, #tpu.memory_space<hbm>>
    %dma_wait3A_530 = tpu.memref_squeeze %dma_wait3A_529 : memref<1x1000000x64xf32, #tpu.memory_space<hbm>> -> memref<1000000x64xf32, #tpu.memory_space<hbm>>
    %dma_wait3A_531 = arith.constant 0 : i32
    %dma_wait3A_532 = arith.constant 0 : i32
    %dma_wait3A_533 = tpu.memref_slice %dma_wait3A_530[%dma_wait3A_531, %dma_wait3A_532] : memref<1000000x64xf32, #tpu.memory_space<hbm>> -> memref<1x64xf32, #tpu.memory_space<hbm>>
    tpu.wait_dma2 semaphore(%arg7 : memref<!tpu.dma_semaphore, #tpu.memory_space<semaphore_mem>>) src(%dma_wait3A_533 : memref<1x64xf32, #tpu.memory_space<hbm>>) dst(%dma_wait3A_526 : memref<1x64xf32, #tpu.memory_space<vmem>>)
    %dma_wait3A_534 = arith.constant 0 : i32
    %dma_wait3A_535 = arith.constant 505 : i32
    %dma_wait3A_536 = arith.constant 0 : i32
    %dma_wait3A_537 = tpu.memref_slice %arg6[%dma_wait3A_535, %dma_wait3A_536] : memref<512x64xf32, #tpu.memory_space<vmem>> -> memref<1x64xf32, #tpu.memory_space<vmem>>
    %dma_wait3A_538 = arith.constant 0 : i32
    %dma_wait3A_539 = arith.constant 0 : i32
    %dma_wait3A_540 = tpu.memref_slice %arg2[%dma_wait3A_534, %dma_wait3A_538, %dma_wait3A_539] : memref<1x1000000x64xf32, #tpu.memory_space<hbm>> -> memref<1x1000000x64xf32, #tpu.memory_space<hbm>>
    %dma_wait3A_541 = tpu.memref_squeeze %dma_wait3A_540 : memref<1x1000000x64xf32, #tpu.memory_space<hbm>> -> memref<1000000x64xf32, #tpu.memory_space<hbm>>
    %dma_wait3A_542 = arith.constant 0 : i32
    %dma_wait3A_543 = arith.constant 0 : i32
    %dma_wait3A_544 = tpu.memref_slice %dma_wait3A_541[%dma_wait3A_542, %dma_wait3A_543] : memref<1000000x64xf32, #tpu.memory_space<hbm>> -> memref<1x64xf32, #tpu.memory_space<hbm>>
    %dma_wait3A_545 = arith.constant 505 : i32
    %dma_wait3A_546 = arith.constant 0 : i32
    %dma_wait3A_547 = tpu.memref_slice %arg6[%dma_wait3A_545, %dma_wait3A_546] : memref<512x64xf32, #tpu.memory_space<vmem>> -> memref<1x64xf32, #tpu.memory_space<vmem>>
    %dma_wait3A_548 = arith.constant 0 : i32
    %dma_wait3A_549 = arith.constant 0 : i32
    %dma_wait3A_550 = tpu.memref_slice %arg2[%dma_wait3A_534, %dma_wait3A_548, %dma_wait3A_549] : memref<1x1000000x64xf32, #tpu.memory_space<hbm>> -> memref<1x1000000x64xf32, #tpu.memory_space<hbm>>
    %dma_wait3A_551 = tpu.memref_squeeze %dma_wait3A_550 : memref<1x1000000x64xf32, #tpu.memory_space<hbm>> -> memref<1000000x64xf32, #tpu.memory_space<hbm>>
    %dma_wait3A_552 = arith.constant 0 : i32
    %dma_wait3A_553 = arith.constant 0 : i32
    %dma_wait3A_554 = tpu.memref_slice %dma_wait3A_551[%dma_wait3A_552, %dma_wait3A_553] : memref<1000000x64xf32, #tpu.memory_space<hbm>> -> memref<1x64xf32, #tpu.memory_space<hbm>>
    tpu.wait_dma2 semaphore(%arg7 : memref<!tpu.dma_semaphore, #tpu.memory_space<semaphore_mem>>) src(%dma_wait3A_554 : memref<1x64xf32, #tpu.memory_space<hbm>>) dst(%dma_wait3A_547 : memref<1x64xf32, #tpu.memory_space<vmem>>)
    %dma_wait3A_555 = arith.constant 0 : i32
    %dma_wait3A_556 = arith.constant 506 : i32
    %dma_wait3A_557 = arith.constant 0 : i32
    %dma_wait3A_558 = tpu.memref_slice %arg6[%dma_wait3A_556, %dma_wait3A_557] : memref<512x64xf32, #tpu.memory_space<vmem>> -> memref<1x64xf32, #tpu.memory_space<vmem>>
    %dma_wait3A_559 = arith.constant 0 : i32
    %dma_wait3A_560 = arith.constant 0 : i32
    %dma_wait3A_561 = tpu.memref_slice %arg2[%dma_wait3A_555, %dma_wait3A_559, %dma_wait3A_560] : memref<1x1000000x64xf32, #tpu.memory_space<hbm>> -> memref<1x1000000x64xf32, #tpu.memory_space<hbm>>
    %dma_wait3A_562 = tpu.memref_squeeze %dma_wait3A_561 : memref<1x1000000x64xf32, #tpu.memory_space<hbm>> -> memref<1000000x64xf32, #tpu.memory_space<hbm>>
    %dma_wait3A_563 = arith.constant 0 : i32
    %dma_wait3A_564 = arith.constant 0 : i32
    %dma_wait3A_565 = tpu.memref_slice %dma_wait3A_562[%dma_wait3A_563, %dma_wait3A_564] : memref<1000000x64xf32, #tpu.memory_space<hbm>> -> memref<1x64xf32, #tpu.memory_space<hbm>>
    %dma_wait3A_566 = arith.constant 506 : i32
    %dma_wait3A_567 = arith.constant 0 : i32
    %dma_wait3A_568 = tpu.memref_slice %arg6[%dma_wait3A_566, %dma_wait3A_567] : memref<512x64xf32, #tpu.memory_space<vmem>> -> memref<1x64xf32, #tpu.memory_space<vmem>>
    %dma_wait3A_569 = arith.constant 0 : i32
    %dma_wait3A_570 = arith.constant 0 : i32
    %dma_wait3A_571 = tpu.memref_slice %arg2[%dma_wait3A_555, %dma_wait3A_569, %dma_wait3A_570] : memref<1x1000000x64xf32, #tpu.memory_space<hbm>> -> memref<1x1000000x64xf32, #tpu.memory_space<hbm>>
    %dma_wait3A_572 = tpu.memref_squeeze %dma_wait3A_571 : memref<1x1000000x64xf32, #tpu.memory_space<hbm>> -> memref<1000000x64xf32, #tpu.memory_space<hbm>>
    %dma_wait3A_573 = arith.constant 0 : i32
    %dma_wait3A_574 = arith.constant 0 : i32
    %dma_wait3A_575 = tpu.memref_slice %dma_wait3A_572[%dma_wait3A_573, %dma_wait3A_574] : memref<1000000x64xf32, #tpu.memory_space<hbm>> -> memref<1x64xf32, #tpu.memory_space<hbm>>
    tpu.wait_dma2 semaphore(%arg7 : memref<!tpu.dma_semaphore, #tpu.memory_space<semaphore_mem>>) src(%dma_wait3A_575 : memref<1x64xf32, #tpu.memory_space<hbm>>) dst(%dma_wait3A_568 : memref<1x64xf32, #tpu.memory_space<vmem>>)
    %dma_wait3A_576 = arith.constant 0 : i32
    %dma_wait3A_577 = arith.constant 507 : i32
    %dma_wait3A_578 = arith.constant 0 : i32
    %dma_wait3A_579 = tpu.memref_slice %arg6[%dma_wait3A_577, %dma_wait3A_578] : memref<512x64xf32, #tpu.memory_space<vmem>> -> memref<1x64xf32, #tpu.memory_space<vmem>>
    %dma_wait3A_580 = arith.constant 0 : i32
    %dma_wait3A_581 = arith.constant 0 : i32
    %dma_wait3A_582 = tpu.memref_slice %arg2[%dma_wait3A_576, %dma_wait3A_580, %dma_wait3A_581] : memref<1x1000000x64xf32, #tpu.memory_space<hbm>> -> memref<1x1000000x64xf32, #tpu.memory_space<hbm>>
    %dma_wait3A_583 = tpu.memref_squeeze %dma_wait3A_582 : memref<1x1000000x64xf32, #tpu.memory_space<hbm>> -> memref<1000000x64xf32, #tpu.memory_space<hbm>>
    %dma_wait3A_584 = arith.constant 0 : i32
    %dma_wait3A_585 = arith.constant 0 : i32
    %dma_wait3A_586 = tpu.memref_slice %dma_wait3A_583[%dma_wait3A_584, %dma_wait3A_585] : memref<1000000x64xf32, #tpu.memory_space<hbm>> -> memref<1x64xf32, #tpu.memory_space<hbm>>
    %dma_wait3A_587 = arith.constant 507 : i32
    %dma_wait3A_588 = arith.constant 0 : i32
    %dma_wait3A_589 = tpu.memref_slice %arg6[%dma_wait3A_587, %dma_wait3A_588] : memref<512x64xf32, #tpu.memory_space<vmem>> -> memref<1x64xf32, #tpu.memory_space<vmem>>
    %dma_wait3A_590 = arith.constant 0 : i32
    %dma_wait3A_591 = arith.constant 0 : i32
    %dma_wait3A_592 = tpu.memref_slice %arg2[%dma_wait3A_576, %dma_wait3A_590, %dma_wait3A_591] : memref<1x1000000x64xf32, #tpu.memory_space<hbm>> -> memref<1x1000000x64xf32, #tpu.memory_space<hbm>>
    %dma_wait3A_593 = tpu.memref_squeeze %dma_wait3A_592 : memref<1x1000000x64xf32, #tpu.memory_space<hbm>> -> memref<1000000x64xf32, #tpu.memory_space<hbm>>
    %dma_wait3A_594 = arith.constant 0 : i32
    %dma_wait3A_595 = arith.constant 0 : i32
    %dma_wait3A_596 = tpu.memref_slice %dma_wait3A_593[%dma_wait3A_594, %dma_wait3A_595] : memref<1000000x64xf32, #tpu.memory_space<hbm>> -> memref<1x64xf32, #tpu.memory_space<hbm>>
    tpu.wait_dma2 semaphore(%arg7 : memref<!tpu.dma_semaphore, #tpu.memory_space<semaphore_mem>>) src(%dma_wait3A_596 : memref<1x64xf32, #tpu.memory_space<hbm>>) dst(%dma_wait3A_589 : memref<1x64xf32, #tpu.memory_space<vmem>>)
    %dma_wait3A_597 = arith.constant 0 : i32
    %dma_wait3A_598 = arith.constant 508 : i32
    %dma_wait3A_599 = arith.constant 0 : i32
    %dma_wait3A_600 = tpu.memref_slice %arg6[%dma_wait3A_598, %dma_wait3A_599] : memref<512x64xf32, #tpu.memory_space<vmem>> -> memref<1x64xf32, #tpu.memory_space<vmem>>
    %dma_wait3A_601 = arith.constant 0 : i32
    %dma_wait3A_602 = arith.constant 0 : i32
    %dma_wait3A_603 = tpu.memref_slice %arg2[%dma_wait3A_597, %dma_wait3A_601, %dma_wait3A_602] : memref<1x1000000x64xf32, #tpu.memory_space<hbm>> -> memref<1x1000000x64xf32, #tpu.memory_space<hbm>>
    %dma_wait3A_604 = tpu.memref_squeeze %dma_wait3A_603 : memref<1x1000000x64xf32, #tpu.memory_space<hbm>> -> memref<1000000x64xf32, #tpu.memory_space<hbm>>
    %dma_wait3A_605 = arith.constant 0 : i32
    %dma_wait3A_606 = arith.constant 0 : i32
    %dma_wait3A_607 = tpu.memref_slice %dma_wait3A_604[%dma_wait3A_605, %dma_wait3A_606] : memref<1000000x64xf32, #tpu.memory_space<hbm>> -> memref<1x64xf32, #tpu.memory_space<hbm>>
    %dma_wait3A_608 = arith.constant 508 : i32
    %dma_wait3A_609 = arith.constant 0 : i32
    %dma_wait3A_610 = tpu.memref_slice %arg6[%dma_wait3A_608, %dma_wait3A_609] : memref<512x64xf32, #tpu.memory_space<vmem>> -> memref<1x64xf32, #tpu.memory_space<vmem>>
    %dma_wait3A_611 = arith.constant 0 : i32
    %dma_wait3A_612 = arith.constant 0 : i32
    %dma_wait3A_613 = tpu.memref_slice %arg2[%dma_wait3A_597, %dma_wait3A_611, %dma_wait3A_612] : memref<1x1000000x64xf32, #tpu.memory_space<hbm>> -> memref<1x1000000x64xf32, #tpu.memory_space<hbm>>
    %dma_wait3A_614 = tpu.memref_squeeze %dma_wait3A_613 : memref<1x1000000x64xf32, #tpu.memory_space<hbm>> -> memref<1000000x64xf32, #tpu.memory_space<hbm>>
    %dma_wait3A_615 = arith.constant 0 : i32
    %dma_wait3A_616 = arith.constant 0 : i32
    %dma_wait3A_617 = tpu.memref_slice %dma_wait3A_614[%dma_wait3A_615, %dma_wait3A_616] : memref<1000000x64xf32, #tpu.memory_space<hbm>> -> memref<1x64xf32, #tpu.memory_space<hbm>>
    tpu.wait_dma2 semaphore(%arg7 : memref<!tpu.dma_semaphore, #tpu.memory_space<semaphore_mem>>) src(%dma_wait3A_617 : memref<1x64xf32, #tpu.memory_space<hbm>>) dst(%dma_wait3A_610 : memref<1x64xf32, #tpu.memory_space<vmem>>)
    %dma_wait3A_618 = arith.constant 0 : i32
    %dma_wait3A_619 = arith.constant 509 : i32
    %dma_wait3A_620 = arith.constant 0 : i32
    %dma_wait3A_621 = tpu.memref_slice %arg6[%dma_wait3A_619, %dma_wait3A_620] : memref<512x64xf32, #tpu.memory_space<vmem>> -> memref<1x64xf32, #tpu.memory_space<vmem>>
    %dma_wait3A_622 = arith.constant 0 : i32
    %dma_wait3A_623 = arith.constant 0 : i32
    %dma_wait3A_624 = tpu.memref_slice %arg2[%dma_wait3A_618, %dma_wait3A_622, %dma_wait3A_623] : memref<1x1000000x64xf32, #tpu.memory_space<hbm>> -> memref<1x1000000x64xf32, #tpu.memory_space<hbm>>
    %dma_wait3A_625 = tpu.memref_squeeze %dma_wait3A_624 : memref<1x1000000x64xf32, #tpu.memory_space<hbm>> -> memref<1000000x64xf32, #tpu.memory_space<hbm>>
    %dma_wait3A_626 = arith.constant 0 : i32
    %dma_wait3A_627 = arith.constant 0 : i32
    %dma_wait3A_628 = tpu.memref_slice %dma_wait3A_625[%dma_wait3A_626, %dma_wait3A_627] : memref<1000000x64xf32, #tpu.memory_space<hbm>> -> memref<1x64xf32, #tpu.memory_space<hbm>>
    %dma_wait3A_629 = arith.constant 509 : i32
    %dma_wait3A_630 = arith.constant 0 : i32
    %dma_wait3A_631 = tpu.memref_slice %arg6[%dma_wait3A_629, %dma_wait3A_630] : memref<512x64xf32, #tpu.memory_space<vmem>> -> memref<1x64xf32, #tpu.memory_space<vmem>>
    %dma_wait3A_632 = arith.constant 0 : i32
    %dma_wait3A_633 = arith.constant 0 : i32
    %dma_wait3A_634 = tpu.memref_slice %arg2[%dma_wait3A_618, %dma_wait3A_632, %dma_wait3A_633] : memref<1x1000000x64xf32, #tpu.memory_space<hbm>> -> memref<1x1000000x64xf32, #tpu.memory_space<hbm>>
    %dma_wait3A_635 = tpu.memref_squeeze %dma_wait3A_634 : memref<1x1000000x64xf32, #tpu.memory_space<hbm>> -> memref<1000000x64xf32, #tpu.memory_space<hbm>>
    %dma_wait3A_636 = arith.constant 0 : i32
    %dma_wait3A_637 = arith.constant 0 : i32
    %dma_wait3A_638 = tpu.memref_slice %dma_wait3A_635[%dma_wait3A_636, %dma_wait3A_637] : memref<1000000x64xf32, #tpu.memory_space<hbm>> -> memref<1x64xf32, #tpu.memory_space<hbm>>
    tpu.wait_dma2 semaphore(%arg7 : memref<!tpu.dma_semaphore, #tpu.memory_space<semaphore_mem>>) src(%dma_wait3A_638 : memref<1x64xf32, #tpu.memory_space<hbm>>) dst(%dma_wait3A_631 : memref<1x64xf32, #tpu.memory_space<vmem>>)
    %dma_wait3A_639 = arith.constant 0 : i32
    %dma_wait3A_640 = arith.constant 510 : i32
    %dma_wait3A_641 = arith.constant 0 : i32
    %dma_wait3A_642 = tpu.memref_slice %arg6[%dma_wait3A_640, %dma_wait3A_641] : memref<512x64xf32, #tpu.memory_space<vmem>> -> memref<1x64xf32, #tpu.memory_space<vmem>>
    %dma_wait3A_643 = arith.constant 0 : i32
    %dma_wait3A_644 = arith.constant 0 : i32
    %dma_wait3A_645 = tpu.memref_slice %arg2[%dma_wait3A_639, %dma_wait3A_643, %dma_wait3A_644] : memref<1x1000000x64xf32, #tpu.memory_space<hbm>> -> memref<1x1000000x64xf32, #tpu.memory_space<hbm>>
    %dma_wait3A_646 = tpu.memref_squeeze %dma_wait3A_645 : memref<1x1000000x64xf32, #tpu.memory_space<hbm>> -> memref<1000000x64xf32, #tpu.memory_space<hbm>>
    %dma_wait3A_647 = arith.constant 0 : i32
    %dma_wait3A_648 = arith.constant 0 : i32
    %dma_wait3A_649 = tpu.memref_slice %dma_wait3A_646[%dma_wait3A_647, %dma_wait3A_648] : memref<1000000x64xf32, #tpu.memory_space<hbm>> -> memref<1x64xf32, #tpu.memory_space<hbm>>
    %dma_wait3A_650 = arith.constant 510 : i32
    %dma_wait3A_651 = arith.constant 0 : i32
    %dma_wait3A_652 = tpu.memref_slice %arg6[%dma_wait3A_650, %dma_wait3A_651] : memref<512x64xf32, #tpu.memory_space<vmem>> -> memref<1x64xf32, #tpu.memory_space<vmem>>
    %dma_wait3A_653 = arith.constant 0 : i32
    %dma_wait3A_654 = arith.constant 0 : i32
    %dma_wait3A_655 = tpu.memref_slice %arg2[%dma_wait3A_639, %dma_wait3A_653, %dma_wait3A_654] : memref<1x1000000x64xf32, #tpu.memory_space<hbm>> -> memref<1x1000000x64xf32, #tpu.memory_space<hbm>>
    %dma_wait3A_656 = tpu.memref_squeeze %dma_wait3A_655 : memref<1x1000000x64xf32, #tpu.memory_space<hbm>> -> memref<1000000x64xf32, #tpu.memory_space<hbm>>
    %dma_wait3A_657 = arith.constant 0 : i32
    %dma_wait3A_658 = arith.constant 0 : i32
    %dma_wait3A_659 = tpu.memref_slice %dma_wait3A_656[%dma_wait3A_657, %dma_wait3A_658] : memref<1000000x64xf32, #tpu.memory_space<hbm>> -> memref<1x64xf32, #tpu.memory_space<hbm>>
    tpu.wait_dma2 semaphore(%arg7 : memref<!tpu.dma_semaphore, #tpu.memory_space<semaphore_mem>>) src(%dma_wait3A_659 : memref<1x64xf32, #tpu.memory_space<hbm>>) dst(%dma_wait3A_652 : memref<1x64xf32, #tpu.memory_space<vmem>>)
    %dma_wait3A_660 = arith.constant 0 : i32
    %dma_wait3A_661 = arith.constant 511 : i32
    %dma_wait3A_662 = arith.constant 0 : i32
    %dma_wait3A_663 = tpu.memref_slice %arg6[%dma_wait3A_661, %dma_wait3A_662] : memref<512x64xf32, #tpu.memory_space<vmem>> -> memref<1x64xf32, #tpu.memory_space<vmem>>
    %dma_wait3A_664 = arith.constant 0 : i32
    %dma_wait3A_665 = arith.constant 0 : i32
    %dma_wait3A_666 = tpu.memref_slice %arg2[%dma_wait3A_660, %dma_wait3A_664, %dma_wait3A_665] : memref<1x1000000x64xf32, #tpu.memory_space<hbm>> -> memref<1x1000000x64xf32, #tpu.memory_space<hbm>>
    %dma_wait3A_667 = tpu.memref_squeeze %dma_wait3A_666 : memref<1x1000000x64xf32, #tpu.memory_space<hbm>> -> memref<1000000x64xf32, #tpu.memory_space<hbm>>
    %dma_wait3A_668 = arith.constant 0 : i32
    %dma_wait3A_669 = arith.constant 0 : i32
    %dma_wait3A_670 = tpu.memref_slice %dma_wait3A_667[%dma_wait3A_668, %dma_wait3A_669] : memref<1000000x64xf32, #tpu.memory_space<hbm>> -> memref<1x64xf32, #tpu.memory_space<hbm>>
    %dma_wait3A_671 = arith.constant 511 : i32
    %dma_wait3A_672 = arith.constant 0 : i32
    %dma_wait3A_673 = tpu.memref_slice %arg6[%dma_wait3A_671, %dma_wait3A_672] : memref<512x64xf32, #tpu.memory_space<vmem>> -> memref<1x64xf32, #tpu.memory_space<vmem>>
    %dma_wait3A_674 = arith.constant 0 : i32
    %dma_wait3A_675 = arith.constant 0 : i32
    %dma_wait3A_676 = tpu.memref_slice %arg2[%dma_wait3A_660, %dma_wait3A_674, %dma_wait3A_675] : memref<1x1000000x64xf32, #tpu.memory_space<hbm>> -> memref<1x1000000x64xf32, #tpu.memory_space<hbm>>
    %dma_wait3A_677 = tpu.memref_squeeze %dma_wait3A_676 : memref<1x1000000x64xf32, #tpu.memory_space<hbm>> -> memref<1000000x64xf32, #tpu.memory_space<hbm>>
    %dma_wait3A_678 = arith.constant 0 : i32
    %dma_wait3A_679 = arith.constant 0 : i32
    %dma_wait3A_680 = tpu.memref_slice %dma_wait3A_677[%dma_wait3A_678, %dma_wait3A_679] : memref<1000000x64xf32, #tpu.memory_space<hbm>> -> memref<1x64xf32, #tpu.memory_space<hbm>>
    tpu.wait_dma2 semaphore(%arg7 : memref<!tpu.dma_semaphore, #tpu.memory_space<semaphore_mem>>) src(%dma_wait3A_680 : memref<1x64xf32, #tpu.memory_space<hbm>>) dst(%dma_wait3A_673 : memref<1x64xf32, #tpu.memory_space<vmem>>)
    "tpu.region"() ({
      %run_scoped3A = tpu.sem_alloc : memref<!tpu.dma_semaphore, #tpu.memory_space<semaphore_mem>>
      %dma_start3A = arith.constant 0 : i32
      %dma_start3A_681 = tpu.memref_slice %arg4[%mul3A_2, %dma_start3A] : memref<16384x64xf32, #tpu.memory_space<hbm>> -> memref<512x64xf32, #tpu.memory_space<hbm>>
      %dma_start3A_682 = arith.constant 0 : i32
      %dma_start3A_683 = tpu.memref_slice %arg4[%mul3A_2, %dma_start3A_682] : memref<16384x64xf32, #tpu.memory_space<hbm>> -> memref<512x64xf32, #tpu.memory_space<hbm>>
      tpu.enqueue_dma source(%arg6 : memref<512x64xf32, #tpu.memory_space<vmem>>) target(%dma_start3A_683 : memref<512x64xf32, #tpu.memory_space<hbm>>) target_semaphore(%run_scoped3A : memref<!tpu.dma_semaphore, #tpu.memory_space<semaphore_mem>>)
      %dma_wait3A_684 = arith.constant 0 : i32
      %dma_wait3A_685 = tpu.memref_slice %arg4[%mul3A_2, %dma_wait3A_684] : memref<16384x64xf32, #tpu.memory_space<hbm>> -> memref<512x64xf32, #tpu.memory_space<hbm>>
      %dma_wait3A_686 = arith.constant 0 : i32
      %dma_wait3A_687 = tpu.memref_slice %arg4[%mul3A_2, %dma_wait3A_686] : memref<16384x64xf32, #tpu.memory_space<hbm>> -> memref<512x64xf32, #tpu.memory_space<hbm>>
      tpu.wait_dma2 semaphore(%run_scoped3A : memref<!tpu.dma_semaphore, #tpu.memory_space<semaphore_mem>>) src(%arg6 : memref<512x64xf32, #tpu.memory_space<vmem>>) dst(%dma_wait3A_687 : memref<512x64xf32, #tpu.memory_space<hbm>>)
      tpu.yield
    }) : () -> ()
    return
  }
}

module attributes {stable_mosaic.version = 14 : i64} {
  func.func @body(%arg0: i32, %arg1: memref<4096x64xf32, #tpu.memory_space<vmem>>, %arg2: memref<128x72xf32, #tpu.memory_space<vmem>>, %arg3: memref<1x128xf32, #tpu.memory_space<vmem>>, %arg4: memref<64x128xf32, #tpu.memory_space<vmem>>, %arg5: memref<1x64xf32, #tpu.memory_space<vmem>>, %arg6: memref<32x64xf32, #tpu.memory_space<vmem>>, %arg7: memref<1x32xf32, #tpu.memory_space<vmem>>, %arg8: memref<1x32xf32, #tpu.memory_space<vmem>>, %arg9: memref<1x1xf32, #tpu.memory_space<vmem>>, %arg10: memref<1x4096xf32, #tpu.memory_space<vmem>>) attributes {dimension_semantics = [#tpu.dimension_semantics<arbitrary>], iteration_bounds = array<i64: 4>, scalar_prefetch = 0 : i64, scratch_operands = 0 : i64, tpu.core_type = #tpu.core_type<tc>, window_params = [{transform_indices = @transform_0, window_bounds = array<i64: 4096, 64>}, {pipeline_mode = #tpu.pipeline_mode<synchronous>, transform_indices = @transform_1, window_bounds = array<i64: 128, 72>}, {pipeline_mode = #tpu.pipeline_mode<synchronous>, transform_indices = @transform_2, window_bounds = array<i64: 1, 128>}, {pipeline_mode = #tpu.pipeline_mode<synchronous>, transform_indices = @transform_3, window_bounds = array<i64: 64, 128>}, {pipeline_mode = #tpu.pipeline_mode<synchronous>, transform_indices = @transform_4, window_bounds = array<i64: 1, 64>}, {pipeline_mode = #tpu.pipeline_mode<synchronous>, transform_indices = @transform_5, window_bounds = array<i64: 32, 64>}, {pipeline_mode = #tpu.pipeline_mode<synchronous>, transform_indices = @transform_6, window_bounds = array<i64: 1, 32>}, {pipeline_mode = #tpu.pipeline_mode<synchronous>, transform_indices = @transform_7, window_bounds = array<i64: 1, 32>}, {pipeline_mode = #tpu.pipeline_mode<synchronous>, transform_indices = @transform_8, window_bounds = array<i64: 1, 1>}, {transform_indices = @transform_9, window_bounds = array<i64: 1, 4096>}]} {
    %get3A = arith.constant 0 : index
    %get3A_0 = arith.constant 0 : index
    %get3A_1 = vector.load %arg1[%get3A, %get3A_0] : memref<4096x64xf32, #tpu.memory_space<vmem>>, vector<4096x64xf32>
    %get3A_2 = arith.constant 0 : index
    %get3A_3 = arith.constant 0 : index
    %get3A_4 = vector.load %arg2[%get3A_2, %get3A_3] : memref<128x72xf32, #tpu.memory_space<vmem>>, vector<128x64xf32>
    %dot_general3A = arith.constant dense<0.000000e+00> : vector<4096x128xf32>
    %dot_general3A_5 = tpu.matmul %get3A_1, %get3A_4, %dot_general3A {dimension_numbers = #tpu.dot_dimension_numbers<[1], [1], [0], [0], [0, 0, 1, 0], [], []>, transpose_lhs_hint = false} : vector<4096x64xf32>, vector<128x64xf32>, vector<4096x128xf32> -> vector<4096x128xf32>
    %get3A_6 = arith.constant 0 : index
    %get3A_7 = arith.constant 0 : index
    %get3A_8 = vector.load %arg3[%get3A_6, %get3A_7] : memref<1x128xf32, #tpu.memory_space<vmem>>, vector<1x128xf32>
    %add3A = vector.broadcast %get3A_8 : vector<1x128xf32> to vector<4096x128xf32>
    %add3A_9 = arith.addf %dot_general3A_5, %add3A : vector<4096x128xf32>
    %max3A = arith.constant 0.000000e+00 : f32
    %max3A_10 = vector.broadcast %max3A : f32 to vector<4096x128xf32>
    %max3A_11 = arith.maximumf %add3A_9, %max3A_10 : vector<4096x128xf32>
    %get3A_12 = arith.constant 0 : index
    %get3A_13 = arith.constant 0 : index
    %get3A_14 = vector.load %arg4[%get3A_12, %get3A_13] : memref<64x128xf32, #tpu.memory_space<vmem>>, vector<64x128xf32>
    %dot_general3A_15 = arith.constant dense<0.000000e+00> : vector<4096x64xf32>
    %dot_general3A_16 = tpu.matmul %max3A_11, %get3A_14, %dot_general3A_15 {dimension_numbers = #tpu.dot_dimension_numbers<[1], [1], [0], [0], [0, 0, 1, 0], [], []>, transpose_lhs_hint = false} : vector<4096x128xf32>, vector<64x128xf32>, vector<4096x64xf32> -> vector<4096x64xf32>
    %get3A_17 = arith.constant 0 : index
    %get3A_18 = arith.constant 0 : index
    %get3A_19 = vector.load %arg5[%get3A_17, %get3A_18] : memref<1x64xf32, #tpu.memory_space<vmem>>, vector<1x64xf32>
    %add3A_20 = vector.broadcast %get3A_19 : vector<1x64xf32> to vector<4096x64xf32>
    %add3A_21 = arith.addf %dot_general3A_16, %add3A_20 : vector<4096x64xf32>
    %max3A_22 = arith.constant 0.000000e+00 : f32
    %max3A_23 = vector.broadcast %max3A_22 : f32 to vector<4096x64xf32>
    %max3A_24 = arith.maximumf %add3A_21, %max3A_23 : vector<4096x64xf32>
    %get3A_25 = arith.constant 0 : index
    %get3A_26 = arith.constant 0 : index
    %get3A_27 = vector.load %arg6[%get3A_25, %get3A_26] : memref<32x64xf32, #tpu.memory_space<vmem>>, vector<32x64xf32>
    %dot_general3A_28 = arith.constant dense<0.000000e+00> : vector<4096x32xf32>
    %dot_general3A_29 = tpu.matmul %max3A_24, %get3A_27, %dot_general3A_28 {dimension_numbers = #tpu.dot_dimension_numbers<[1], [1], [0], [0], [0, 0, 1, 0], [], []>, transpose_lhs_hint = false} : vector<4096x64xf32>, vector<32x64xf32>, vector<4096x32xf32> -> vector<4096x32xf32>
    %get3A_30 = arith.constant 0 : index
    %get3A_31 = arith.constant 0 : index
    %get3A_32 = vector.load %arg7[%get3A_30, %get3A_31] : memref<1x32xf32, #tpu.memory_space<vmem>>, vector<1x32xf32>
    %add3A_33 = vector.broadcast %get3A_32 : vector<1x32xf32> to vector<4096x32xf32>
    %add3A_34 = arith.addf %dot_general3A_29, %add3A_33 : vector<4096x32xf32>
    %max3A_35 = arith.constant 0.000000e+00 : f32
    %max3A_36 = vector.broadcast %max3A_35 : f32 to vector<4096x32xf32>
    %max3A_37 = arith.maximumf %add3A_34, %max3A_36 : vector<4096x32xf32>
    %get3A_38 = arith.constant 0 : index
    %get3A_39 = arith.constant 0 : index
    %get3A_40 = vector.load %arg8[%get3A_38, %get3A_39] : memref<1x32xf32, #tpu.memory_space<vmem>>, vector<1x32xf32>
    %dot_general3A_41 = arith.constant dense<0.000000e+00> : vector<1x4096xf32>
    %dot_general3A_42 = tpu.matmul %get3A_40, %max3A_37, %dot_general3A_41 {dimension_numbers = #tpu.dot_dimension_numbers<[1], [1], [0], [0], [0, 0, 1, 0], [], []>, transpose_lhs_hint = false} : vector<1x32xf32>, vector<4096x32xf32>, vector<1x4096xf32> -> vector<1x4096xf32>
    %get3A_43 = arith.constant 0 : index
    %get3A_44 = arith.constant 0 : index
    %get3A_45 = vector.load %arg9[%get3A_43, %get3A_44] : memref<1x1xf32, #tpu.memory_space<vmem>>, vector<1x1xf32>
    %add3A_46 = vector.broadcast %get3A_45 : vector<1x1xf32> to vector<1x4096xf32>
    %add3A_47 = arith.addf %dot_general3A_42, %add3A_46 : vector<1x4096xf32>
    %swap3A = arith.constant 0 : index
    %swap3A_48 = arith.constant 0 : index
    %swap3A_49 = vector.load %arg10[%swap3A, %swap3A_48] : memref<1x4096xf32, #tpu.memory_space<vmem>>, vector<1x4096xf32>
    tpu.vector_store %arg10[%swap3A, %swap3A_48], %add3A_47 {strides = array<i32>} : memref<1x4096xf32, #tpu.memory_space<vmem>>, vector<1x4096xf32>,
    return
  }
  func.func @transform_0(%arg0: i32) -> (i32, i32) {
    %c0_i32 = arith.constant 0 : i32
    %c0_i32_0 = arith.constant 0 : i32
    return %arg0, %c0_i32 : i32, i32
  }
  func.func @transform_1(%arg0: i32) -> (i32, i32) {
    %c0_i32 = arith.constant 0 : i32
    %c0_i32_0 = arith.constant 0 : i32
    %c0_i32_1 = arith.constant 0 : i32
    return %c0_i32, %c0_i32_0 : i32, i32
  }
  func.func @transform_2(%arg0: i32) -> (i32, i32) {
    %c0_i32 = arith.constant 0 : i32
    %c0_i32_0 = arith.constant 0 : i32
    %c0_i32_1 = arith.constant 0 : i32
    return %c0_i32, %c0_i32_0 : i32, i32
  }
  func.func @transform_3(%arg0: i32) -> (i32, i32) {
    %c0_i32 = arith.constant 0 : i32
    %c0_i32_0 = arith.constant 0 : i32
    %c0_i32_1 = arith.constant 0 : i32
    return %c0_i32, %c0_i32_0 : i32, i32
  }
  func.func @transform_4(%arg0: i32) -> (i32, i32) {
    %c0_i32 = arith.constant 0 : i32
    %c0_i32_0 = arith.constant 0 : i32
    %c0_i32_1 = arith.constant 0 : i32
    return %c0_i32, %c0_i32_0 : i32, i32
  }
  func.func @transform_5(%arg0: i32) -> (i32, i32) {
    %c0_i32 = arith.constant 0 : i32
    %c0_i32_0 = arith.constant 0 : i32
    %c0_i32_1 = arith.constant 0 : i32
    return %c0_i32, %c0_i32_0 : i32, i32
  }
  func.func @transform_6(%arg0: i32) -> (i32, i32) {
    %c0_i32 = arith.constant 0 : i32
    %c0_i32_0 = arith.constant 0 : i32
    %c0_i32_1 = arith.constant 0 : i32
    return %c0_i32, %c0_i32_0 : i32, i32
  }
  func.func @transform_7(%arg0: i32) -> (i32, i32) {
    %c0_i32 = arith.constant 0 : i32
    %c0_i32_0 = arith.constant 0 : i32
    %c0_i32_1 = arith.constant 0 : i32
    return %c0_i32, %c0_i32_0 : i32, i32
  }
  func.func @transform_8(%arg0: i32) -> (i32, i32) {
    %c0_i32 = arith.constant 0 : i32
    %c0_i32_0 = arith.constant 0 : i32
    %c0_i32_1 = arith.constant 0 : i32
    return %c0_i32, %c0_i32_0 : i32, i32
  }
  func.func @transform_9(%arg0: i32) -> (i32, i32) {
    %c0_i32 = arith.constant 0 : i32
    %c0_i32_0 = arith.constant 0 : i32
    return %c0_i32, %arg0 : i32, i32
  }
}

</mosaic_0001>

<sc_bundles>
// kernel: kernel.4.cloned.1.call-start
scs
__scs_entry_jumppad:
0x0: {  	(pc) =	sbr.rel $0x88, $3  }
0x1: {  	(tag) =	ssettag $0x0;
	lr =	simm.s32 $0x1  }
0x2: {  	[smem:$0x3F97] =	sst lr;
	_ =	strace $0xD0000000  }
0x3: {  	_ = 	snop  }
0x4: {  	_ = 	snop  }
0x5: {  	_ = 	snop  }
0x6: {  	_ = 	snop  }
0x7: {  	_ = 	snop  }
__scs_overlays_trampoline_lowered:
0x8: {  	[smem:$0x3FA6] =	sst s0  }
0x9: {  	[smem:$0x3FA7] =	sst s1  }
0xa: {  	[smem:$0x3FA8] =	sst s2  }
0xb: {  	[smem:$0x3FA9] =	sst s3  }
0xc: {  	[smem:$0x3FAA] =	sst s4  }
0xd: {  	[smem:$0x3FAB] =	sst s5  }
0xe: {  	[smem:$0x3FAC] =	sst s6  }
0xf: {  	[smem:$0x3FAD] =	sst s7  }
0x10: {  	[smem:$0x3FAE] =	sst s8  }
0x11: {  	[smem:$0x3FAF] =	sst s9;
	s0 =	simm.s32 @!p0 $0x0  }
0x12: {  	s1 =	sld [smem:$0x3F95];
	s0 =	simm.s32 @p0 $0x1  }
0x13: {  	[smem:$0x3FB0] =	sst s0;
	s0 =	simm.s32 @!p1 $0x0  }
0x14: {  	s2 =	sld [smem:$0x3F94];
	s0 =	simm.s32 @p1 $0x1  }
0x15: {  	[smem:$0x3FB1] =	sst s0;
	s0 =	simm.s32 @!p2 $0x0  }
0x16: {  	s3 =	sld [smem:$0x3FDB];
	s0 =	simm.s32 @p2 $0x1  }
0x17: {  	s4 =	simm.s32 $0x1BF5;
	[smem:$0x3FB3] =	sst s0  }
0x18: {  	s0 =	sld [smem:$0x3F96];
	_ =	swait.ge [sflag:s4], $0x0  }
0x19: {  	s7 =	sld [smem:$0x3F97]  }
0x1a: {  	s8 =	sadd.s32 $0xFFFFE003, lr  }
0x1b: {  	s9 =	sadd.s32 $0xFFFFFEF7, lr;
	s5 =	simm.s32 $0xFFFFFFFF;
	p2 =	slt.u32 s8, $0xFFFFF086  }
0x1c: {  	p1 =	slt.u32 s9, $0xF7A;
	s5 =	simm.s32 @!p2 $0x0  }
0x1d: {  	s5 =	simm.s32 @p1 $0x1;
	p0 =	seq.s32 s7, s2  }
0x1e: {  	s7 =	smul.u32 @!p0 $0xF7A, s2;
	p2 =	seq.s32 @!p0 s5, $0x0  }
0x1f: {  	s9 =	smul.u32 $0xF7A, s1;
	s8 =	simm.s32 @!p0 $0x1BF5;
	p2 =	por !p2, p0  }
0x20: {  	[sflag:s8] =	ssyncset.s32 @!p0 $0xFFFFF086;
	s6 =	sadd.s32 @!p0 s3, s7;
	s7 =	simm.s32 @!p0 $0x108  }
0x21: {  	s3 =	sadd.s32 s3, s9;
	s6 =	sadd.s32 @!p0 $0x88, s6;
	s7 =	simm.s32 @p2 $0x1082  }
0x22: {  	[simem:s7], [sflag:s8] =	dma.local @!p0 [hbm:s6], $0xF7A  }
0x23: {  	s9 =	sor.u32 $0xD0000000, s2;
	s6 =	simm.s32 $0x108;
	_ =	swait.ge @!p0 [sflag:s8], $0x0  }
0x24: {  	s3 =	sadd.s32 $0x88, s3;
	s6 =	simm.s32 @!p1 $0x1082;
	[sflag:s4] =	ssyncset.s32 $0xFFFFF086  }
0x25: {  	[simem:s6], [sflag:s4] =	dma.local [hbm:s3], $0xF7A  }
0x26: {  	[smem:$0x3F97] =	sst s1;
	(tag) =	ssettag s2;
	_ =	strace s9  }
0x27: {  	s1 =	sld [smem:$0x3FA7]  }
0x28: {  	s2 =	sld [smem:$0x3FA8]  }
0x29: {  	s4 =	sld [smem:$0x3FAA]  }
0x2a: {  	p0 =	seq.s32 s5, $0x0;
	s5 =	sld [smem:$0x3FAB]  }
0x2b: {  	s6 =	sld [smem:$0x3FAC]  }
0x2c: {  	s7 =	sld [smem:$0x3FAD]  }
0x2d: {  	s3 =	simm.s32 $0x108;
	s8 =	sld [smem:$0x3FAE]  }
0x2e: {  	s3 =	simm.s32 @!p0 $0x1082;
	s9 =	sld [smem:$0x3FAF]  }
0x2f: {  	lr =	sadd.s32 s0, s3;
	s0 =	sld [smem:$0x3FA6]  }
0x30: {  	s3 =	sld [smem:$0x3FA9]  }
0x31: {  	[smem:$0x3FB2] =	sst s10  }
0x32: {  	s10 =	sld [smem:$0x3FB0];
	_ =	sdelay $0x3  }
0x33: {  	p0 =	seq.s32 s10, $0x1;
	s10 =	sld [smem:$0x3FB2];
	_ =	sdelay $0x3  }
0x34: {  	[smem:$0x3FB2] =	sst s10  }
0x35: {  	s10 =	sld [smem:$0x3FB1];
	_ =	sdelay $0x3  }
0x36: {  	p1 =	seq.s32 s10, $0x1;
	s10 =	sld [smem:$0x3FB2];
	_ =	sdelay $0x3  }
0x37: {  	[smem:$0x3FB2] =	sst s10  }
0x38: {  	s10 =	sld [smem:$0x3FB3]  }
0x39: {  	_ = 	snop;
	(pc) =	sbr.ind lr, $3  }
0x3a: {  	_ = 	snop  }
0x3b: {  	_ = 	snop  }
0x3c: {  	p2 =	seq.s32 s10, $0x1;
	s10 =	sld [smem:$0x3FB2]  }
0x3d: {  	_ =	shalt  }
0x3e: {  	_ =	shalt  }
0x3f: {  	_ =	shalt  }
0x40: {  	_ =	shalt  }
0x41: {  	_ =	shalt  }
0x42: {  	_ =	shalt  }
0x43: {  	_ =	shalt  }
0x44: {  	_ =	shalt  }
0x45: {  	_ =	shalt  }
0x46: {  	_ =	shalt  }
0x47: {  	_ =	shalt  }
0x48: {  	_ =	shalt  }
0x49: {  	_ =	shalt  }
0x4a: {  	_ =	shalt  }
0x4b: {  	_ =	shalt  }
0x4c: {  	_ =	shalt  }
0x4d: {  	_ =	shalt  }
0x4e: {  	_ =	shalt  }
0x4f: {  	_ =	shalt  }
0x50: {  	_ =	shalt  }
0x51: {  	_ =	shalt  }
0x52: {  	_ =	shalt  }
0x53: {  	_ =	shalt  }
0x54: {  	_ =	shalt  }
0x55: {  	_ =	shalt  }
0x56: {  	_ =	shalt  }
0x57: {  	_ =	shalt  }
0x58: {  	_ =	shalt  }
0x59: {  	_ =	shalt  }
0x5a: {  	_ =	shalt  }
0x5b: {  	_ =	shalt  }
0x5c: {  	_ =	shalt  }
0x5d: {  	_ =	shalt  }
0x5e: {  	_ =	shalt  }
0x5f: {  	_ =	shalt  }
0x60: {  	_ =	shalt  }
0x61: {  	_ =	shalt  }
0x62: {  	_ =	shalt  }
0x63: {  	_ =	shalt  }
0x64: {  	_ =	shalt  }
0x65: {  	_ =	shalt  }
0x66: {  	_ =	shalt  }
0x67: {  	_ =	shalt  }
0x68: {  	_ =	shalt  }
0x69: {  	_ =	shalt  }
0x6a: {  	_ =	shalt  }
0x6b: {  	_ =	shalt  }
0x6c: {  	_ =	shalt  }
0x6d: {  	_ =	shalt  }
0x6e: {  	_ =	shalt  }
0x6f: {  	_ =	shalt  }
0x70: {  	_ =	shalt  }
0x71: {  	_ =	shalt  }
0x72: {  	_ =	shalt  }
0x73: {  	_ =	shalt  }
0x74: {  	_ =	shalt  }
0x75: {  	_ =	shalt  }
0x76: {  	_ =	shalt  }
0x77: {  	_ =	shalt  }
0x78: {  	_ =	shalt  }
0x79: {  	_ =	shalt  }
0x7a: {  	_ =	shalt  }
0x7b: {  	_ =	shalt  }
0x7c: {  	_ =	shalt  }
0x7d: {  	_ =	shalt  }
0x7e: {  	_ =	shalt  }
0x7f: {  	_ =	shalt  }
0x80: {  	_ =	shalt  }
0x81: {  	_ =	shalt  }
0x82: {  	_ =	shalt  }
0x83: {  	_ =	shalt  }
0x84: {  	_ =	shalt  }
0x85: {  	_ =	shalt  }
0x86: {  	_ =	shalt  }
0x87: {  	_ =	shalt  }
.Lfunc_end0:
.L_simem_size_0:
called_computation_lowered:
.L_overlay_start_0:
0x88: {  	s2 =	sld [smem:$0x3FD9]  }
0x89: {  	s3 =	sld [smem:$0x3FFE];
	_ =	sdelay $0x1  }
0x8a: {  	s1 =	srdreg.scid  }
0x8b: {  	s0 =	sand.u32 $0x1, s1  }
0x8c: {  	s17 =	sshll.u32 s0, $0xA;
	s2 =	sadd.s32 s3, s2  }
0x8d: {  	s2 =	sadd.s32 s2, s17  }
0x8e: {  	[smem:$0x3FBE] =	sst s2  }
0x8f: {  	_ = 	snop  }
0x90: {  	s2 =	sld [smem:$0x3FC9];
	(tm) =	ssettm $0x1  }
0x91: {  	s18 =	sld [smem:$0x3FFB];
	_ =	sdelay $0x3  }
0x92: {  	_ =	strace s18  }
0x93: {  	s3 =	sld [smem:$0x3FFC];
	_ =	sdelay $0x3  }
0x94: {  	_ =	strace s3  }
0x95: {  	s3 =	sld [smem:$0x3FFD];
	_ =	sdelay $0x3  }
0x96: {  	_ =	strace s3  }
0x97: {  	_ =	strace $0x8FFFFFFF  }
0x98: {  	s19 =	sld [smem:$0x3FDB];
	_ =	sdelay $0x1  }
0x99: {  	s4 =	simm.s32 $_scs_section_size  }
0x9a: {  	s5 =	simm.s32 $_size__tile_overlayer_lowered;
	s6 =	simm.s32 $_tile_overlayer_lowered  }
0x9b: {  	s22 =	simm.s32 $0x1BFF;
	s21 =	sshll.u32 s6, $0x1;
	s3 =	sadd.s32 s4, s19  }
0x9c: {  	s7 =	simm.s32 $0x0;
	s20 =	sshll.u32 s5, $0x1;
	s5 =	sadd.s32 s21, s3  }
0x9d: {  	[timem:s7], [sflag:s22] =	dma.local [hbm:s5], s20  }
0x9e: {  	_ =	swait.ge [sflag:s22], s20  }
0x9f: {  	s4 =	ssub.s32 $0x0, s20;
	[sflag:s22] =	ssyncset.done $0x0  }
0xa0: {  	[sflag:s22] =	ssyncadd.s32 s4;
	_ =	sdelay $0x1  }
0xa1: {  	s23 =	simm.s32 $0x1B8B  }
0xa2: {  	_ =	swait.ge [sflag:s23], $0x1  }
0xa3: {  	[sflag:s23] =	ssyncset.done $0x0  }
0xa4: {  	s25 =	simm.s32 $0x1B8E;
	s24 =	sld [smem:$0x3FFE];
	[sflag:s23] =	ssyncadd.s32 $0xFFFFFFFF  }
0xa5: {  	s26 =	simm.s32 $execute0_lowered;
	[smem:$0x3FD2] =	sst s25  }
0xa6: {  	s5 =	sshll.u32 s26, $0x1;
	_ =	strace $0x80000046;
	[dreg:$0x1] =	wrdreg $0xFFFFFFFF  }
0xa7: {  	s28 =	simm.s32 $_size_execute0_lowered;
	s3 =	sadd.s32 s3, s5;
	[dreg:$0x0] =	wrdreg $0x0  }
0xa8: {  	s5 =	sshll.u32 s28, $0x1;
	[dreg:$0x2] =	wrdreg s3  }
0xa9: {  	[dreg:$0x3] =	wrdreg s5  }
0xaa: {  	[dreg:$0x4] =	wrdreg $0xC0  }
0xab: {  	_ =	task [dreg:s7], $0x5FFFF  }
0xac: {  	[dreg:$0x1] =	wrdreg $0xFFFFFFFF  }
0xad: {  	[dreg:$0x0] =	wrdreg $0x60  }
0xae: {  	[dreg:$0x2] =	wrdreg s24  }
0xaf: {  	[dreg:$0x3] =	wrdreg s2  }
0xb0: {  	[dreg:$0x4] =	wrdreg $0x9  }
0xb1: {  	_ =	task.clear_ibuf [dreg:s7], $0x5FFFF;
	_ =	strace $0x90000046  }
0xb2: {  	s29 =	simm.s32 $0x9;
	_ =	strace $0x80000048  }
0xb3: {  	_ =	swait.ge [sflag:s29], $0x1  }
0xb4: {  	[sflag:s29] =	ssyncadd.s32 $0xFFFFFFFF  }
0xb5: {  	_ =	strace $0x90000048  }
0xb6: {  	_ =	sfence  }
0xb7: {  	s30 =	sld [smem:$0x0];
	_ =	sdelay $0x2  }
0xb8: {  	s31 =	sshll.u32 s1, $0xD;
	s1 =	sshrl.u32 s1, $0x2  }
0xb9: {  	s3 =	sand.u32 $0x4000, s31;
	s1 =	sadd.s32 s1, s30  }
0xba: {  	s0 =	sor.u32 s3, s0;
	s1 =	sshll.u32 s1, $0x11  }
0xbb: {  	s0 =	sor.u32 s1, s0  }
0xbc: {  	s0 =	sadd.s32 $0x8F2B, s0  }
0xbd: {  	[sflag:s0] =	ssyncadd.remote.s32 $0x1  }
0xbe: {  	_ =	sfence.sel $0xFFFF  }
0xbf: {  	[dreg:$0x0] =	wrdreg $0xFFFFFFFF;
	(pc) =	sbr.abs _section_cstart, $3  }
0xc0: {  	[dreg:$0x1] =	wrdreg $0xFFFFFFFF  }
0xc1: {  	_ =	task.clear_ibuf [dreg:s7], $0x2FFFF;
	_ =	strace $0x9FFFFFFF  }
0xc2: {  	(tm) =	ssettm $0x7FFFFFFF  }
0xc3: {  	_ =	shalt  }
tec
execute0_lowered:
.L_overlay_start_1:
0x0: {  	(tag) =	ssettag $0x1  }
0x1: {  	s4 =	rddreg [dreg:$0x0]  }
0x2: {  	s5 =	rddreg [dreg:$0x1];
	s2 =	simm.s32 $0x0;
	s3 =	srdreg.scid  }
0x3: {  	s0 =	stileid.u32;
	s10 =	simm.s32 $0x0;
	s6 =	sand.u32 $0x1, s3  }
0x4: {  	[smem:$0x7FF] =	sst s2;
	s7 =	sshll.u32 s0, $0xA;
	s8 =	sshll.u32 s6, $0x9  }
0x5: {  	s3 =	sadd.s32 $0x1400, s4;
	s6 =	ssub.s32 $0x2, s6;
	s7 =	sor.u32 s8, s7  }
0x6: {  	_ =	strace $0x80000047;
	s9 =	sshrl.u32 s6, $0x1;
	s8 =	sshll.u32 s7, $0x4  }
0x7: {  	s7 =	sshrl.u32 s7, $0x3;
	s6 =	ssub.s32 s6, s9;
	s9 =	simm.s32 $0x200  }
0x8: {  	s8 =	sadd.s32 s8, s4;
	s4 =	sadd.s32 s5, s7;
	s6 =	smax.u32 s6, $0x1  }
0x9: {  	s7 =	simm.s32 $0x2;
	s5 =	sadd.s32 $0xF43800, s8;
	s8 =	simm.s32 $0x1  }
.LBB2_1:
0xa: {  	[tilespmem:s2], [sflag:$0x2] =	stream.linear.gather [hbm4b:s4+s2], $0x200, $0x38;
	[tilespmem:$0x10200] =	vst v63  }
0xb: {  	_ =	swait.ge [sflag:s7], $0x200  }
0xc: {  	[sflag:s7] =	ssyncset.done $0x0  }
0xd: {  	[sflag:s7] =	ssyncadd.s32 $0xFFFFFE00  }
0xe: {  	v0 =	vld [tilespmem:s2+$0x0];
	_ =	sdelay $0x4  }
0xf: {  	v0 =	vshll.u32 v0, $0x4  }
0x10: {  	(v2sf) =	vpush v0, $0x0  }
0x11: {  	(v2sf) =	vpush v0, $0x1  }
0x12: {  	(v2sf) =	vpush v0, $0x2;
	_ =	sdelay $0x1  }
0x13: {  	(v2sf) =	vpush v0, $0x3;
	_ =	sdelay $0x1  }
0x14: {  	(v2sf) =	vpush v0, $0x4;
	_ =	sdelay $0x1  }
0x15: {  	(v2sf) =	vpush v0, $0x5;
	_ =	sdelay $0x1  }
0x16: {  	(v2sf) =	vpush v0, $0x6  }
0x17: {  	s13 =	simm.s32 $0x280;
	s14 =	simm.s32 $0x380;
	s15 =	simm.s32 $0x400  }
0x18: {  	s16 =	simm.s32 $0x200;
	s17 =	simm.s32 $0x300;
	s18 =	simm.s32 $0x480;
	(v2sf) =	vpush v0, $0x7  }
0x19: {  	p0 =	por $0x1, $0x1;
	s19 =	simm.s32 $0x680;
	s11 =	simm.s32 $0x880  }
0x1a: {  	s20 =	simm.s32 $0x500;
	s21 =	simm.s32 $0x600;
	s12 =	simm.s32 $0x800;
	(v2sf) =	vpush v0, $0x8  }
0x1b: {  	s22 =	simm.s32 $0x580;
	s23 =	simm.s32 $0x780;
	s24 =	spop (v2sf)  }
0x1c: {  	s25 =	simm.s32 $0x700;
	(v2sf) =	vpush v0, $0x9;
	s24 =	sand.u32 $0x1FFFFFF0, s24;
	s26 =	spop (v2sf)  }
0x1d: {  	s24 =	sadd.s32 s3, s24;
	s26 =	sand.u32 $0x1FFFFFF0, s26;
	s28 =	spop (v2sf)  }
0x1e: {  	(v2sf) =	vpush v0, $0xA;
	[tilespmem:s16], [sflag:$0x1] =	stream.linear.gather [hbm4b:s24+s2], $0x80, $0x38;
	[tilespmem:$0x10200] =	vst v63  }
0x1f: {  	s26 =	sadd.s32 s3, s26;
	s29 =	sand.u32 $0x1FFFFFF0, s28;
	s30 =	spop (v2sf)  }
0x20: {  	(v2sf) =	vpush v0, $0xB;
	[tilespmem:s13], [sflag:$0x1] =	stream.linear.gather [hbm4b:s26+s2], $0x80, $0x38;
	[tilespmem:$0x10200] =	vst v63  }
0x21: {  	s31 =	sadd.s32 s3, s29;
	s0 =	sand.u32 $0x1FFFFFF0, s30;
	s1 =	spop (v2sf)  }
0x22: {  	(v2sf) =	vpush v0, $0xC;
	[tilespmem:s17], [sflag:$0x1] =	stream.linear.gather [hbm4b:s31+s2], $0x80, $0x38;
	[tilespmem:$0x10200] =	vst v63  }
0x23: {  	s24 =	sand.u32 $0x1FFFFFF0, s1;
	s26 =	spop (v2sf);
	s17 =	sadd.s32 s3, s0  }
0x24: {  	(v2sf) =	vpush v0, $0xD;
	[tilespmem:s14], [sflag:$0x1] =	stream.linear.gather [hbm4b:s17+s2], $0x80, $0x38;
	[tilespmem:$0x10200] =	vst v63  }
0x25: {  	s28 =	sadd.s32 s3, s24;
	s29 =	sand.u32 $0x1FFFFFF0, s26;
	s30 =	spop (v2sf)  }
0x26: {  	(v2sf) =	vpush v0, $0xE;
	[tilespmem:s15], [sflag:$0x1] =	stream.linear.gather [hbm4b:s28+s2], $0x80, $0x38;
	[tilespmem:$0x10200] =	vst v63  }
0x27: {  	s31 =	sadd.s32 s3, s29;
	s0 =	sand.u32 $0x1FFFFFF0, s30;
	s1 =	spop (v2sf)  }
0x28: {  	(v2sf) =	vpush v0, $0xF;
	[tilespmem:s18], [sflag:$0x1] =	stream.linear.gather [hbm4b:s31+s2], $0x80, $0x38;
	[tilespmem:$0x10200] =	vst v63  }
0x29: {  	s16 =	sadd.s32 s3, s0;
	s17 =	sand.u32 $0x1FFFFFF0, s1;
	s18 =	spop (v2sf)  }
0x2a: {  	[tilespmem:s20], [sflag:$0x1] =	stream.linear.gather [hbm4b:s16+s2], $0x80, $0x38;
	[tilespmem:$0x10200] =	vst v63  }
0x2b: {  	s24 =	sand.u32 $0x1FFFFFF0, s18;
	s20 =	sadd.s32 s3, s17;
	s26 =	spop (v2sf)  }
0x2c: {  	[tilespmem:s22], [sflag:$0x1] =	stream.linear.gather [hbm4b:s20+s2], $0x80, $0x38;
	[tilespmem:$0x10200] =	vst v63  }
0x2d: {  	s28 =	sadd.s32 s3, s24;
	s29 =	sand.u32 $0x1FFFFFF0, s26;
	s30 =	spop (v2sf)  }
0x2e: {  	[tilespmem:s21], [sflag:$0x1] =	stream.linear.gather [hbm4b:s28+s2], $0x80, $0x38;
	[tilespmem:$0x10200] =	vst v63  }
0x2f: {  	s31 =	sadd.s32 s3, s29;
	s0 =	sand.u32 $0x1FFFFFF0, s30;
	s1 =	spop (v2sf)  }
0x30: {  	[tilespmem:s19], [sflag:$0x1] =	stream.linear.gather [hbm4b:s31+s2], $0x80, $0x38;
	[tilespmem:$0x10200] =	vst v63  }
0x31: {  	s14 =	sadd.s32 s3, s0;
	s15 =	sand.u32 $0x1FFFFFF0, s1;
	s16 =	spop (v2sf)  }
0x32: {  	[tilespmem:s25], [sflag:$0x1] =	stream.linear.gather [hbm4b:s14+s2], $0x80, $0x38;
	[tilespmem:$0x10200] =	vst v63  }
0x33: {  	s17 =	sadd.s32 s3, s15;
	s18 =	sand.u32 $0x1FFFFFF0, s16;
	s19 =	spop (v2sf)  }
0x34: {  	[tilespmem:s23], [sflag:$0x1] =	stream.linear.gather [hbm4b:s17+s2], $0x80, $0x38;
	[tilespmem:$0x10200] =	vst v63  }
0x35: {  	s20 =	sadd.s32 s3, s18;
	s21 =	sand.u32 $0x1FFFFFF0, s19;
	s22 =	spop (v2sf)  }
0x36: {  	[tilespmem:s12], [sflag:$0x1] =	stream.linear.gather [hbm4b:s20+s2], $0x80, $0x38;
	[tilespmem:$0x10200] =	vst v63  }
0x37: {  	s24 =	sand.u32 $0x1FFFFFF0, s22;
	s25 =	spop (v2sf);
	s23 =	sadd.s32 s3, s21  }
0x38: {  	[tilespmem:s11], [sflag:$0x1] =	stream.linear.gather [hbm4b:s23+s2], $0x80, $0x38;
	[tilespmem:$0x10200] =	vst v63  }
0x39: {  	s26 =	simm.s32 $0x900;
	s28 =	sadd.s32 s3, s24;
	s29 =	sand.u32 $0x1FFFFFF0, s25  }
0x3a: {  	[tilespmem:s26], [sflag:$0x1] =	stream.linear.gather [hbm4b:s28+s2], $0x80, $0x38;
	[tilespmem:$0x10200] =	vst v63  }
0x3b: {  	s30 =	simm.s32 $0x980;
	s14 =	simm.s32 @!p0 $0x1;
	s31 =	sadd.s32 s3, s29  }
0x3c: {  	[tilespmem:s30], [sflag:$0x1] =	stream.linear.gather [hbm4b:s31+s2], $0x80, $0x38;
	[tilespmem:$0x10200] =	vst v63  }
0x3d: {  	_ =	swait.ge @!p0 [sflag:s14], $0x80  }
0x3e: {  	[sflag:s14] =	ssyncset.done @!p0 $0x0  }
0x3f: {  	[sflag:s14] =	ssyncadd.s32 @!p0 $0xFFFFFF80  }
0x40: {  	_ =	swait.ge @!p0 [sflag:s14], $0x80  }
0x41: {  	[sflag:s14] =	ssyncset.done @!p0 $0x0  }
0x42: {  	[sflag:s14] =	ssyncadd.s32 @!p0 $0xFFFFFF80  }
0x43: {  	_ =	swait.ge @!p0 [sflag:s14], $0x80  }
0x44: {  	[sflag:s14] =	ssyncset.done @!p0 $0x0  }
0x45: {  	[sflag:s14] =	ssyncadd.s32 @!p0 $0xFFFFFF80  }
0x46: {  	_ =	swait.ge @!p0 [sflag:s14], $0x80  }
0x47: {  	[sflag:s14] =	ssyncset.done @!p0 $0x0  }
0x48: {  	[sflag:s14] =	ssyncadd.s32 @!p0 $0xFFFFFF80  }
0x49: {  	_ =	swait.ge @!p0 [sflag:s14], $0x80  }
0x4a: {  	[sflag:s14] =	ssyncset.done @!p0 $0x0  }
0x4b: {  	[sflag:s14] =	ssyncadd.s32 @!p0 $0xFFFFFF80  }
0x4c: {  	_ =	swait.ge @!p0 [sflag:s14], $0x80  }
0x4d: {  	[sflag:s14] =	ssyncset.done @!p0 $0x0  }
0x4e: {  	[sflag:s14] =	ssyncadd.s32 @!p0 $0xFFFFFF80  }
0x4f: {  	_ =	swait.ge @!p0 [sflag:s14], $0x80  }
0x50: {  	[sflag:s14] =	ssyncset.done @!p0 $0x0  }
0x51: {  	[sflag:s14] =	ssyncadd.s32 @!p0 $0xFFFFFF80  }
0x52: {  	_ =	swait.ge @!p0 [sflag:s14], $0x80  }
0x53: {  	[sflag:s14] =	ssyncset.done @!p0 $0x0  }
0x54: {  	[sflag:s14] =	ssyncadd.s32 @!p0 $0xFFFFFF80  }
0x55: {  	_ =	swait.ge @!p0 [sflag:s14], $0x80  }
0x56: {  	[sflag:s14] =	ssyncset.done @!p0 $0x0  }
0x57: {  	[sflag:s14] =	ssyncadd.s32 @!p0 $0xFFFFFF80  }
0x58: {  	_ =	swait.ge @!p0 [sflag:s14], $0x80  }
0x59: {  	[sflag:s14] =	ssyncset.done @!p0 $0x0  }
0x5a: {  	[sflag:s14] =	ssyncadd.s32 @!p0 $0xFFFFFF80  }
0x5b: {  	_ =	swait.ge @!p0 [sflag:s14], $0x80  }
0x5c: {  	[sflag:s14] =	ssyncset.done @!p0 $0x0  }
0x5d: {  	[sflag:s14] =	ssyncadd.s32 @!p0 $0xFFFFFF80  }
0x5e: {  	_ =	swait.ge @!p0 [sflag:s14], $0x80  }
0x5f: {  	[sflag:s14] =	ssyncset.done @!p0 $0x0  }
0x60: {  	[sflag:s14] =	ssyncadd.s32 @!p0 $0xFFFFFF80  }
0x61: {  	_ =	swait.ge @!p0 [sflag:s14], $0x80  }
0x62: {  	[sflag:s14] =	ssyncset.done @!p0 $0x0  }
0x63: {  	s13 =	simm.s32 $0x0;
	[sflag:s14] =	ssyncadd.s32 @!p0 $0xFFFFFF80  }
0x64: {  	s12 =	simm.s32 $0x10;
	s11 =	simm.s32 $0x2000;
	_ =	swait.ge @!p0 [sflag:s14], $0x80  }
.LBB2_2:
0x65: {  	[sflag:s14] =	ssyncset.done @!p0 $0x0  }
0x66: {  	s13 =	sadd.s32 $0x1, s13;
	s15 =	smov.u32 s11;
	s11 =	sadd.s32 $0x2000, s11  }
0x67: {  	p1 =	sne.s32 s11, $0x40000;
	[sflag:s14] =	ssyncadd.s32 @!p0 $0xFFFFFF80  }
0x68: {  	_ =	swait.ge @!p0 [sflag:s14], $0x80  }
0x69: {  	[sflag:s14] =	ssyncset.done @!p0 $0x0  }
0x6a: {  	[sflag:s14] =	ssyncadd.s32 @!p0 $0xFFFFFF80  }
0x6b: {  	_ =	swait.ge @!p0 [sflag:s14], $0x80  }
0x6c: {  	[sflag:s14] =	ssyncset.done @!p0 $0x0  }
0x6d: {  	[sflag:s14] =	ssyncadd.s32 @!p0 $0xFFFFFF80  }
0x6e: {  	v0 =	vld [tilespmem:s12+$0x0];
	_ =	sdelay $0x4  }
0x6f: {  	v0 =	vshll.u32 v0, $0x4  }
0x70: {  	(v2sf) =	vpush v0, $0x0  }
0x71: {  	(v2sf) =	vpush v0, $0x1  }
0x72: {  	(v2sf) =	vpush v0, $0x2;
	_ =	sdelay $0x1  }
0x73: {  	(v2sf) =	vpush v0, $0x3;
	_ =	sdelay $0x1  }
0x74: {  	(v2sf) =	vpush v0, $0x4;
	_ =	sdelay $0x1  }
0x75: {  	(v2sf) =	vpush v0, $0x5  }
0x76: {  	s14 =	sshra.s32 s15, $0x2  }
0x77: {  	s22 =	sadd.s32 $0x280, s14;
	s23 =	sadd.s32 $0x380, s14;
	s24 =	sadd.s32 $0x400, s14;
	(v2sf) =	vpush v0, $0x6  }
0x78: {  	s25 =	sadd.s32 $0x200, s14;
	s26 =	sadd.s32 $0x300, s14  }
0x79: {  	p0 =	slt.u32 s13, $0x2;
	s28 =	sadd.s32 $0x480, s14;
	(v2sf) =	vpush v0, $0x7  }
0x7a: {  	s19 =	sadd.s32 $0x680, s14;
	s16 =	sadd.s32 $0x880, s14;
	s15 =	sadd.s32 $0x980, s14  }
0x7b: {  	s29 =	sadd.s32 $0x500, s14;
	s21 =	sadd.s32 $0x600, s14;
	s17 =	sadd.s32 $0x800, s14;
	(v2sf) =	vpush v0, $0x8  }
0x7c: {  	s30 =	sadd.s32 $0x580, s14;
	s18 =	sadd.s32 $0x780, s14;
	s20 =	spop (v2sf)  }
0x7d: {  	s31 =	sand.u32 $0x1FFFFFF0, s20;
	s20 =	sadd.s32 $0x700, s14;
	s0 =	spop (v2sf);
	(v2sf) =	vpush v0, $0x9  }
0x7e: {  	s31 =	sadd.s32 s3, s31;
	s0 =	sand.u32 $0x1FFFFFF0, s0;
	s1 =	spop (v2sf)  }
0x7f: {  	[tilespmem:s25], [sflag:$0x1] =	stream.linear.gather [hbm4b:s31+s2], $0x80, $0x38;
	(v2sf) =	vpush v0, $0xA;
	[tilespmem:$0x10200] =	vst v63  }
0x80: {  	s0 =	sadd.s32 s3, s0;
	s1 =	sand.u32 $0x1FFFFFF0, s1;
	s25 =	spop (v2sf)  }
0x81: {  	[tilespmem:s22], [sflag:$0x1] =	stream.linear.gather [hbm4b:s0+s2], $0x80, $0x38;
	(v2sf) =	vpush v0, $0xB;
	[tilespmem:$0x10200] =	vst v63  }
0x82: {  	s0 =	sadd.s32 s3, s1;
	s1 =	sand.u32 $0x1FFFFFF0, s25;
	s22 =	spop (v2sf)  }
0x83: {  	[tilespmem:s26], [sflag:$0x1] =	stream.linear.gather [hbm4b:s0+s2], $0x80, $0x38;
	(v2sf) =	vpush v0, $0xC;
	[tilespmem:$0x10200] =	vst v63  }
0x84: {  	s0 =	sadd.s32 s3, s1;
	s1 =	sand.u32 $0x1FFFFFF0, s22;
	s22 =	spop (v2sf)  }
0x85: {  	[tilespmem:s23], [sflag:$0x1] =	stream.linear.gather [hbm4b:s0+s2], $0x80, $0x38;
	(v2sf) =	vpush v0, $0xD;
	[tilespmem:$0x10200] =	vst v63  }
0x86: {  	s0 =	sadd.s32 s3, s1;
	s1 =	sand.u32 $0x1FFFFFF0, s22;
	s22 =	spop (v2sf)  }
0x87: {  	[tilespmem:s24], [sflag:$0x1] =	stream.linear.gather [hbm4b:s0+s2], $0x80, $0x38;
	(v2sf) =	vpush v0, $0xE;
	[tilespmem:$0x10200] =	vst v63  }
0x88: {  	s0 =	sadd.s32 s3, s1;
	s1 =	sand.u32 $0x1FFFFFF0, s22;
	s22 =	spop (v2sf)  }
0x89: {  	[tilespmem:s28], [sflag:$0x1] =	stream.linear.gather [hbm4b:s0+s2], $0x80, $0x38;
	(v2sf) =	vpush v0, $0xF;
	[tilespmem:$0x10200] =	vst v63  }
0x8a: {  	s0 =	sadd.s32 s3, s1;
	s1 =	sand.u32 $0x1FFFFFF0, s22;
	s22 =	spop (v2sf)  }
0x8b: {  	[tilespmem:s29], [sflag:$0x1] =	stream.linear.gather [hbm4b:s0+s2], $0x80, $0x38;
	[tilespmem:$0x10200] =	vst v63  }
0x8c: {  	s0 =	sadd.s32 s3, s1;
	s1 =	sand.u32 $0x1FFFFFF0, s22;
	s22 =	spop (v2sf)  }
0x8d: {  	[tilespmem:s30], [sflag:$0x1] =	stream.linear.gather [hbm4b:s0+s2], $0x80, $0x38;
	[tilespmem:$0x10200] =	vst v63  }
0x8e: {  	s0 =	sadd.s32 s3, s1;
	s1 =	sand.u32 $0x1FFFFFF0, s22;
	s22 =	spop (v2sf)  }
0x8f: {  	[tilespmem:s21], [sflag:$0x1] =	stream.linear.gather [hbm4b:s0+s2], $0x80, $0x38;
	[tilespmem:$0x10200] =	vst v63  }
0x90: {  	s0 =	sadd.s32 s3, s1;
	s1 =	sand.u32 $0x1FFFFFF0, s22;
	s21 =	spop (v2sf)  }
0x91: {  	[tilespmem:s19], [sflag:$0x1] =	stream.linear.gather [hbm4b:s0+s2], $0x80, $0x38;
	[tilespmem:$0x10200] =	vst v63  }
0x92: {  	s0 =	sadd.s32 s3, s1;
	s1 =	sand.u32 $0x1FFFFFF0, s21;
	s19 =	spop (v2sf)  }
0x93: {  	[tilespmem:s20], [sflag:$0x1] =	stream.linear.gather [hbm4b:s0+s2], $0x80, $0x38;
	[tilespmem:$0x10200] =	vst v63  }
0x94: {  	s0 =	sadd.s32 s3, s1;
	s1 =	sand.u32 $0x1FFFFFF0, s19;
	s19 =	spop (v2sf)  }
0x95: {  	[tilespmem:s18], [sflag:$0x1] =	stream.linear.gather [hbm4b:s0+s2], $0x80, $0x38;
	[tilespmem:$0x10200] =	vst v63  }
0x96: {  	s0 =	sadd.s32 s3, s1;
	s1 =	sand.u32 $0x1FFFFFF0, s19;
	s18 =	spop (v2sf)  }
0x97: {  	[tilespmem:s17], [sflag:$0x1] =	stream.linear.gather [hbm4b:s0+s2], $0x80, $0x38;
	[tilespmem:$0x10200] =	vst v63  }
0x98: {  	s0 =	sadd.s32 s3, s1;
	s1 =	sand.u32 $0x1FFFFFF0, s18;
	s17 =	spop (v2sf)  }
0x99: {  	[tilespmem:s16], [sflag:$0x1] =	stream.linear.gather [hbm4b:s0+s2], $0x80, $0x38;
	[tilespmem:$0x10200] =	vst v63  }
0x9a: {  	s1 =	sadd.s32 s3, s1;
	s0 =	sadd.s32 $0x900, s14;
	s14 =	sand.u32 $0x1FFFFFF0, s17  }
0x9b: {  	[tilespmem:s0], [sflag:$0x1] =	stream.linear.gather [hbm4b:s1+s2], $0x80, $0x38;
	[tilespmem:$0x10200] =	vst v63  }
0x9c: {  	s0 =	sadd.s32 s3, s14;
	s14 =	simm.s32 @!p0 $0x1  }
0x9d: {  	[tilespmem:s15], [sflag:$0x1] =	stream.linear.gather [hbm4b:s0+s2], $0x80, $0x38;
	[tilespmem:$0x10200] =	vst v63  }
0x9e: {  	_ =	swait.ge @!p0 [sflag:s14], $0x80  }
0x9f: {  	[sflag:s14] =	ssyncset.done @!p0 $0x0  }
0xa0: {  	[sflag:s14] =	ssyncadd.s32 @!p0 $0xFFFFFF80  }
0xa1: {  	_ =	swait.ge @!p0 [sflag:s14], $0x80  }
0xa2: {  	[sflag:s14] =	ssyncset.done @!p0 $0x0  }
0xa3: {  	[sflag:s14] =	ssyncadd.s32 @!p0 $0xFFFFFF80  }
0xa4: {  	_ =	swait.ge @!p0 [sflag:s14], $0x80  }
0xa5: {  	[sflag:s14] =	ssyncset.done @!p0 $0x0  }
0xa6: {  	[sflag:s14] =	ssyncadd.s32 @!p0 $0xFFFFFF80  }
0xa7: {  	_ =	swait.ge @!p0 [sflag:s14], $0x80  }
0xa8: {  	[sflag:s14] =	ssyncset.done @!p0 $0x0  }
0xa9: {  	[sflag:s14] =	ssyncadd.s32 @!p0 $0xFFFFFF80  }
0xaa: {  	_ =	swait.ge @!p0 [sflag:s14], $0x80  }
0xab: {  	[sflag:s14] =	ssyncset.done @!p0 $0x0  }
0xac: {  	[sflag:s14] =	ssyncadd.s32 @!p0 $0xFFFFFF80  }
0xad: {  	_ =	swait.ge @!p0 [sflag:s14], $0x80  }
0xae: {  	[sflag:s14] =	ssyncset.done @!p0 $0x0  }
0xaf: {  	[sflag:s14] =	ssyncadd.s32 @!p0 $0xFFFFFF80  }
0xb0: {  	_ =	swait.ge @!p0 [sflag:s14], $0x80  }
0xb1: {  	[sflag:s14] =	ssyncset.done @!p0 $0x0  }
0xb2: {  	[sflag:s14] =	ssyncadd.s32 @!p0 $0xFFFFFF80  }
0xb3: {  	_ =	swait.ge @!p0 [sflag:s14], $0x80  }
0xb4: {  	[sflag:s14] =	ssyncset.done @!p0 $0x0  }
0xb5: {  	[sflag:s14] =	ssyncadd.s32 @!p0 $0xFFFFFF80  }
0xb6: {  	_ =	swait.ge @!p0 [sflag:s14], $0x80  }
0xb7: {  	[sflag:s14] =	ssyncset.done @!p0 $0x0  }
0xb8: {  	[sflag:s14] =	ssyncadd.s32 @!p0 $0xFFFFFF80  }
0xb9: {  	_ =	swait.ge @!p0 [sflag:s14], $0x80  }
0xba: {  	[sflag:s14] =	ssyncset.done @!p0 $0x0  }
0xbb: {  	[sflag:s14] =	ssyncadd.s32 @!p0 $0xFFFFFF80  }
0xbc: {  	_ =	swait.ge @!p0 [sflag:s14], $0x80  }
0xbd: {  	[sflag:s14] =	ssyncset.done @!p0 $0x0  }
0xbe: {  	[sflag:s14] =	ssyncadd.s32 @!p0 $0xFFFFFF80  }
0xbf: {  	_ =	swait.ge @!p0 [sflag:s14], $0x80  }
0xc0: {  	[sflag:s14] =	ssyncset.done @!p0 $0x0  }
.Ltmp0:
0xc1: {  	[sflag:s14] =	ssyncadd.s32 @!p0 $0xFFFFFF80;
	(pc) =	sbr.rel @p1 .LBB2_2-.Ltmp0, $4  }
0xc2: {  	_ =	swait.ge @!p0 [sflag:s14], $0x80  }
0xc3: {  	[sflag:s14] =	ssyncset.done @!p0 $0x0  }
0xc4: {  	[sflag:s14] =	ssyncadd.s32 @!p0 $0xFFFFFF80  }
0xc5: {  	s12 =	sadd.s32 $0x10, s12;
	_ =	swait.ge @!p0 [sflag:s14], $0x80  }
0xc6: {  	[sflag:s14] =	ssyncset.done @!p0 $0x0  }
0xc7: {  	[sflag:s14] =	ssyncadd.s32 @!p0 $0xFFFFFF80  }
0xc8: {  	_ =	swait.ge @!p0 [sflag:s14], $0x80  }
0xc9: {  	[sflag:s14] =	ssyncset.done @!p0 $0x0  }
0xca: {  	[sflag:s14] =	ssyncadd.s32 @!p0 $0xFFFFFF80  }
0xcb: {  	_ =	swait.ge @!p0 [sflag:s14], $0x80  }
0xcc: {  	[sflag:s14] =	ssyncset.done @!p0 $0x0  }
0xcd: {  	[sflag:s14] =	ssyncadd.s32 @!p0 $0xFFFFFF80  }
0xce: {  	_ =	swait.ge [sflag:s8], $0x80  }
0xcf: {  	[sflag:s8] =	ssyncset.done $0x0  }
0xd0: {  	[sflag:s8] =	ssyncadd.s32 $0xFFFFFF80  }
0xd1: {  	_ =	swait.ge [sflag:s8], $0x80  }
0xd2: {  	[sflag:s8] =	ssyncset.done $0x0  }
0xd3: {  	[sflag:s8] =	ssyncadd.s32 $0xFFFFFF80  }
0xd4: {  	_ =	swait.ge [sflag:s8], $0x80  }
0xd5: {  	[sflag:s8] =	ssyncset.done $0x0  }
0xd6: {  	[sflag:s8] =	ssyncadd.s32 $0xFFFFFF80  }
0xd7: {  	_ =	swait.ge [sflag:s8], $0x80  }
0xd8: {  	[sflag:s8] =	ssyncset.done $0x0  }
0xd9: {  	[sflag:s8] =	ssyncadd.s32 $0xFFFFFF80  }
0xda: {  	_ =	swait.ge [sflag:s8], $0x80  }
0xdb: {  	[sflag:s8] =	ssyncset.done $0x0  }
0xdc: {  	[sflag:s8] =	ssyncadd.s32 $0xFFFFFF80  }
0xdd: {  	_ =	swait.ge [sflag:s8], $0x80  }
0xde: {  	[sflag:s8] =	ssyncset.done $0x0  }
0xdf: {  	[sflag:s8] =	ssyncadd.s32 $0xFFFFFF80  }
0xe0: {  	_ =	swait.ge [sflag:s8], $0x80  }
0xe1: {  	[sflag:s8] =	ssyncset.done $0x0  }
0xe2: {  	[sflag:s8] =	ssyncadd.s32 $0xFFFFFF80  }
0xe3: {  	_ =	swait.ge [sflag:s8], $0x80  }
0xe4: {  	[sflag:s8] =	ssyncset.done $0x0  }
0xe5: {  	[sflag:s8] =	ssyncadd.s32 $0xFFFFFF80  }
0xe6: {  	_ =	swait.ge [sflag:s8], $0x80  }
0xe7: {  	[sflag:s8] =	ssyncset.done $0x0  }
0xe8: {  	[sflag:s8] =	ssyncadd.s32 $0xFFFFFF80  }
0xe9: {  	_ =	swait.ge [sflag:s8], $0x80  }
0xea: {  	[sflag:s8] =	ssyncset.done $0x0  }
0xeb: {  	[sflag:s8] =	ssyncadd.s32 $0xFFFFFF80  }
0xec: {  	_ =	swait.ge [sflag:s8], $0x80  }
0xed: {  	[sflag:s8] =	ssyncset.done $0x0  }
0xee: {  	[sflag:s8] =	ssyncadd.s32 $0xFFFFFF80  }
0xef: {  	_ =	swait.ge [sflag:s8], $0x80  }
0xf0: {  	[sflag:s8] =	ssyncset.done $0x0  }
0xf1: {  	[sflag:s8] =	ssyncadd.s32 $0xFFFFFF80  }
0xf2: {  	_ =	swait.ge [sflag:s8], $0x80  }
0xf3: {  	[sflag:s8] =	ssyncset.done $0x0  }
0xf4: {  	[sflag:s8] =	ssyncadd.s32 $0xFFFFFF80  }
0xf5: {  	_ =	swait.ge [sflag:s8], $0x80  }
0xf6: {  	[sflag:s8] =	ssyncset.done $0x0  }
0xf7: {  	[sflag:s8] =	ssyncadd.s32 $0xFFFFFF80  }
0xf8: {  	_ =	swait.ge [sflag:s8], $0x80  }
0xf9: {  	[sflag:s8] =	ssyncset.done $0x0  }
0xfa: {  	[sflag:s8] =	ssyncadd.s32 $0xFFFFFF80  }
0xfb: {  	_ =	swait.ge [sflag:s8], $0x80  }
0xfc: {  	[sflag:s8] =	ssyncset.done $0x0  }
0xfd: {  	[sflag:s8] =	ssyncadd.s32 $0xFFFFFF80  }
0xfe: {  	_ =	swait.ge [sflag:s8], $0x80  }
0xff: {  	[sflag:s8] =	ssyncset.done $0x0  }
0x100: {  	[sflag:s8] =	ssyncadd.s32 $0xFFFFFF80  }
0x101: {  	_ =	swait.ge [sflag:s8], $0x80  }
0x102: {  	[sflag:s8] =	ssyncset.done $0x0  }
0x103: {  	[sflag:s8] =	ssyncadd.s32 $0xFFFFFF80  }
0x104: {  	_ =	swait.ge [sflag:s8], $0x80  }
0x105: {  	[sflag:s8] =	ssyncset.done $0x0  }
0x106: {  	[sflag:s8] =	ssyncadd.s32 $0xFFFFFF80  }
0x107: {  	_ =	swait.ge [sflag:s8], $0x80  }
0x108: {  	[sflag:s8] =	ssyncset.done $0x0  }
0x109: {  	[sflag:s8] =	ssyncadd.s32 $0xFFFFFF80  }
0x10a: {  	_ =	swait.ge [sflag:s8], $0x80  }
0x10b: {  	[sflag:s8] =	ssyncset.done $0x0  }
0x10c: {  	[sflag:s8] =	ssyncadd.s32 $0xFFFFFF80  }
0x10d: {  	_ =	swait.ge [sflag:s8], $0x80  }
0x10e: {  	[sflag:s8] =	ssyncset.done $0x0  }
0x10f: {  	[sflag:s8] =	ssyncadd.s32 $0xFFFFFF80  }
0x110: {  	_ =	swait.ge [sflag:s8], $0x80  }
0x111: {  	[sflag:s8] =	ssyncset.done $0x0  }
0x112: {  	[sflag:s8] =	ssyncadd.s32 $0xFFFFFF80  }
0x113: {  	_ =	swait.ge [sflag:s8], $0x80  }
0x114: {  	[sflag:s8] =	ssyncset.done $0x0  }
0x115: {  	[sflag:s8] =	ssyncadd.s32 $0xFFFFFF80  }
0x116: {  	_ =	swait.ge [sflag:s8], $0x80  }
0x117: {  	[sflag:s8] =	ssyncset.done $0x0  }
0x118: {  	[sflag:s8] =	ssyncadd.s32 $0xFFFFFF80  }
0x119: {  	_ =	swait.ge [sflag:s8], $0x80  }
0x11a: {  	[sflag:s8] =	ssyncset.done $0x0  }
0x11b: {  	[sflag:s8] =	ssyncadd.s32 $0xFFFFFF80  }
0x11c: {  	_ =	swait.ge [sflag:s8], $0x80  }
0x11d: {  	[sflag:s8] =	ssyncset.done $0x0  }
0x11e: {  	[sflag:s8] =	ssyncadd.s32 $0xFFFFFF80  }
0x11f: {  	_ =	swait.ge [sflag:s8], $0x80  }
0x120: {  	[sflag:s8] =	ssyncset.done $0x0  }
0x121: {  	[sflag:s8] =	ssyncadd.s32 $0xFFFFFF80  }
0x122: {  	_ =	swait.ge [sflag:s8], $0x80  }
0x123: {  	[sflag:s8] =	ssyncset.done $0x0  }
0x124: {  	[sflag:s8] =	ssyncadd.s32 $0xFFFFFF80  }
0x125: {  	_ =	swait.ge [sflag:s8], $0x80  }
0x126: {  	[sflag:s8] =	ssyncset.done $0x0  }
0x127: {  	[sflag:s8] =	ssyncadd.s32 $0xFFFFFF80  }
0x128: {  	_ =	swait.ge [sflag:s8], $0x80  }
0x129: {  	[sflag:s8] =	ssyncset.done $0x0  }
0x12a: {  	[sflag:s8] =	ssyncadd.s32 $0xFFFFFF80  }
0x12b: {  	s10 =	sadd.s32 $0x1, s10;
	_ =	swait.ge [sflag:s8], $0x80  }
0x12c: {  	p0 =	sne.s32 s10, s6;
	[sflag:s8] =	ssyncset.done $0x0  }
.Ltmp1:
0x12d: {  	[sflag:s8] =	ssyncadd.s32 $0xFFFFFF80;
	(pc) =	sbr.rel @p0 .LBB2_1-.Ltmp1, $4  }
0x12e: {  	[hbm4b:s5+s2] =	stream.linear.scatter [tilespmem:s9], [sflag:$0x2], $0x10000, $0x38;
	[tilespmem:$0x10200] =	vst v63  }
0x12f: {  	_ =	swait.ge [sflag:s7], $0x10000  }
0x130: {  	[sflag:s7] =	ssyncset.done $0x0  }
0x131: {  	[sflag:s7] =	ssyncadd.s32 $0xFFFF0000  }
0x132: {  	_ =	sfence.sel $0x180000  }
0x133: {  	[bflag:$0x0] =	sbarrier.arrive $0xFFFF  }
0x134: {  	_ =	strace $0x90000047  }
0x135: {  	s0 =	stileid.u32;
	[bflag:$0x2] =	sbarrier.arrive $0xFFFF  }
0x136: {  	p0 =	sne.s32 s0, $0x0;
	s0 =	rddreg [dreg:$0x2]  }
0x137: {  	s0 =	sadd.s32 @!p0 $0x100000, s0  }
0x138: {  	[sflag:s0] =	ssyncadd.tile.s32 @!p0 $0x1;
	_ =	shalt  }
.Lfunc_end2:
_tile_overlayer_lowered:
.L_overlay_start_2:
0x139: {  	(tag) =	ssettag $0x2  }
0x13a: {  	s0 =	rddreg [dreg:$0x0];
	s2 =	stileid.u32  }
0x13b: {  	s1 =	rddreg [dreg:$0x1];
	p0 =	sne.s32 s2, $0x0  }
0x13c: {  	s3 =	rddreg [dreg:$0x2];
	[bflag:$0x3] =	sbarrier.arrive $0xFFFF;
	s2 =	simm.s32 @!p0 $0x1C02  }
0x13d: {  	[timem:s3], [sflag:s2] =	dma.local @!p0 [hbm:s0], s1  }
0x13e: {  	s0 =	simm.s32 @!p0 $0x2  }
0x13f: {  	_ =	swait.ge @!p0 [sflag:s0], s1  }
0x140: {  	s1 =	ssub.s32 @!p0 $0x0, s1;
	[sflag:s0] =	ssyncset.done @!p0 $0x0  }
0x141: {  	[sflag:s0] =	ssyncadd.s32 @!p0 s1  }
0x142: {  	[bflag:$0x3] =	sbarrier.arrive $0xFFFF  }
0x143: {  	_ =	shalt  }

</sc_bundles>
